<compile_context>
chip_gen: v7x
topology: tpu7x:2x2x1
jax: 0.10.2.dev20260603
libtpu: 0.0.44.dev20260713+nightly
codegen_flags: <defaults>
</compile_context>

<pallas_src>
import functools

import jax
import jax.numpy as jnp
from jax import lax
from jax.experimental import pallas as pl
from jax.experimental.pallas import tpu as pltpu
from jax.experimental.pallas import tpu_sc as plsc

_CHUNK = 2048


@functools.lru_cache(maxsize=None)
def _make_gather_t(V, D, B):
    info = plsc.get_sparse_core_info()
    NC, NS = info.num_cores, info.num_subcores
    NW = NC * NS
    dims_per_w = D // NW
    n_chunks = B // _CHUNK
    mesh = plsc.VectorSubcoreMesh(core_axis_name="c", subcore_axis_name="s")

    @functools.partial(
        pl.kernel,
        mesh=mesh,
        compiler_params=pltpu.CompilerParams(needs_layout_passes=False),
        out_type=jax.ShapeDtypeStruct((D, B), jnp.float32),
        scratch_types=[
            pltpu.VMEM((V,), jnp.float32),
            pltpu.VMEM((B,), jnp.int32),
            pltpu.VMEM((B // 2,), jnp.float32),
            pltpu.SemaphoreType.DMA,
        ],
    )
    def gather_kernel(idx_hbm, table_hbm, out_hbm, row_v, idx_v, out_v, sem):
        wid = lax.axis_index("s") * NC + lax.axis_index("c")
        cidx = pltpu.async_copy(idx_hbm, idx_v, sem)
        crow = pltpu.async_copy(table_hbm.at[wid * dims_per_w], row_v, sem)
        cidx.wait()
        crow.wait()
        half = B // 2
        for dj in range(dims_per_w):
            j = wid * dims_per_w + dj
            if dj > 0:
                pltpu.sync_copy(table_hbm.at[j], row_v)
            for h in range(2):

                def body(k, _, h=h):
                    base = k * 256
                    idxs = [
                        idx_v[pl.ds(h * half + base + u * 16, 16)]
                        for u in range(16)
                    ]
                    vals = [plsc.load_gather(row_v, [iv]) for iv in idxs]
                    for u in range(16):
                        out_v[pl.ds(base + u * 16, 16)] = vals[u]
                    return ()

                lax.fori_loop(0, half // 256, body, ())
                pltpu.sync_copy(out_v, out_hbm.at[j, pl.ds(h * half, half)])

    return gather_kernel


def kernel(token_ids, user_indices, user_embeddings):
    del token_ids
    (B,) = user_indices.shape
    V, D = user_embeddings.shape
    out_t = _make_gather_t(V, D, B)(
        user_indices.astype(jnp.int32), user_embeddings.T
    )
    return out_t.T

# --- scband reference (transcript-rebuilt; emitter-appended) ---
"""Pipeline reference for scband-text-user-tokens-38886633898653 (READ-ONLY COPY).

The authoritative reference and input builder live on the scoring server;
editing this copy changes nothing except your own understanding.
"""

import jax, jax.numpy as jnp
import numpy as np

NUM_USERS = 100000
EMBED_DIM = 64
VOCAB_SIZE = 1000000
BATCH = 16384
SEQ = 50

def setup_inputs(seed: int = 0) -> dict:
    key = jax.random.key(seed)
    k1, k2, k3 = jax.random.split(key, 3)
    token_ids = jax.random.randint(k1, (BATCH, SEQ), 0, VOCAB_SIZE, dtype=jnp.int64 if jax.config.jax_enable_x64 else jnp.int32)
    user_indices = jax.random.randint(k2, (BATCH,), 0, NUM_USERS, dtype=jnp.int64 if jax.config.jax_enable_x64 else jnp.int32)
    # learned parameter: user embedding table, init normal std=0.02
    user_embeddings = jax.random.normal(k3, (NUM_USERS, EMBED_DIM), dtype=jnp.float32) * 0.02
    return {"token_ids": token_ids, "user_indices": user_indices, "user_embeddings": user_embeddings}

def reference(token_ids, user_indices, user_embeddings):
    # Faithful translation: forward ignores token_ids and returns embedding lookup
    return jnp.take(user_embeddings, user_indices, axis=0)

if __name__ == "__main__":
    import jax
    _d = setup_inputs()
    print(jax.jit(kernel)(*tuple(_d.values())))

</pallas_src>

<mosaic_0001>
#map = affine_map<(d0, d1) -> (0)>
#map1 = affine_map<(d0, d1) -> (0, 0)>
module attributes {stable_mosaic.version = 14 : i64} {
  func.func @gather_kernel(%arg0: i32, %arg1: i32, %arg2: memref<16384xi32, #tpu.memory_space<hbm>>, %arg3: memref<64x100000xf32, #tpu.memory_space<hbm>>, %arg4: memref<64x16384xf32, #tpu.memory_space<hbm>>, %arg5: memref<100000xf32, #tpu.memory_space<vmem>>, %arg6: memref<16384xi32, #tpu.memory_space<vmem>>, %arg7: memref<8192xf32, #tpu.memory_space<vmem>>, %arg8: memref<!tpu.dma_semaphore, #tpu.memory_space<semaphore_mem>>) attributes {dimension_semantics = [#tpu.dimension_semantics<core_parallel>, #tpu.dimension_semantics<subcore_parallel>], iteration_bounds = array<i64: 2, 16>, scalar_prefetch = 0 : i64, scratch_operands = 4 : i64, tpu.core_type = #tpu.core_type<sc_vector_subcore>, window_params = [{transform_indices = #map}, {transform_indices = #map1}, {transform_indices = #map1}]} {
    %mul3A = arith.constant 2 : i32
    %mul3A_0 = arith.muli %arg1, %mul3A : i32
    %add3A = arith.addi %mul3A_0, %arg0 : i32
    tpu.enqueue_dma source(%arg2 : memref<16384xi32, #tpu.memory_space<hbm>>) target(%arg6 : memref<16384xi32, #tpu.memory_space<vmem>>) target_semaphore(%arg8 : memref<!tpu.dma_semaphore, #tpu.memory_space<semaphore_mem>>)
    %mul3A_1 = arith.constant 2 : i32
    %mul3A_2 = arith.muli %add3A, %mul3A_1 : i32
    %dma_start3A = arith.constant 0 : i32
    %dma_start3A_3 = tpu.memref_slice %arg3[%mul3A_2, %dma_start3A] : memref<64x100000xf32, #tpu.memory_space<hbm>> -> memref<1x100000xf32, #tpu.memory_space<hbm>>
    %dma_start3A_4 = tpu.memref_squeeze %dma_start3A_3 : memref<1x100000xf32, #tpu.memory_space<hbm>> -> memref<100000xf32, #tpu.memory_space<hbm>>
    %dma_start3A_5 = arith.constant 0 : i32
    %dma_start3A_6 = tpu.memref_slice %arg3[%mul3A_2, %dma_start3A_5] : memref<64x100000xf32, #tpu.memory_space<hbm>> -> memref<1x100000xf32, #tpu.memory_space<hbm>>
    %dma_start3A_7 = tpu.memref_squeeze %dma_start3A_6 : memref<1x100000xf32, #tpu.memory_space<hbm>> -> memref<100000xf32, #tpu.memory_space<hbm>>
    tpu.enqueue_dma source(%dma_start3A_7 : memref<100000xf32, #tpu.memory_space<hbm>>) target(%arg5 : memref<100000xf32, #tpu.memory_space<vmem>>) target_semaphore(%arg8 : memref<!tpu.dma_semaphore, #tpu.memory_space<semaphore_mem>>)
    tpu.wait_dma2 semaphore(%arg8 : memref<!tpu.dma_semaphore, #tpu.memory_space<semaphore_mem>>) src(%arg2 : memref<16384xi32, #tpu.memory_space<hbm>>) dst(%arg6 : memref<16384xi32, #tpu.memory_space<vmem>>)
    %dma_wait3A = arith.constant 0 : i32
    %dma_wait3A_8 = tpu.memref_slice %arg3[%mul3A_2, %dma_wait3A] : memref<64x100000xf32, #tpu.memory_space<hbm>> -> memref<1x100000xf32, #tpu.memory_space<hbm>>
    %dma_wait3A_9 = tpu.memref_squeeze %dma_wait3A_8 : memref<1x100000xf32, #tpu.memory_space<hbm>> -> memref<100000xf32, #tpu.memory_space<hbm>>
    %dma_wait3A_10 = arith.constant 0 : i32
    %dma_wait3A_11 = tpu.memref_slice %arg3[%mul3A_2, %dma_wait3A_10] : memref<64x100000xf32, #tpu.memory_space<hbm>> -> memref<1x100000xf32, #tpu.memory_space<hbm>>
    %dma_wait3A_12 = tpu.memref_squeeze %dma_wait3A_11 : memref<1x100000xf32, #tpu.memory_space<hbm>> -> memref<100000xf32, #tpu.memory_space<hbm>>
    tpu.wait_dma2 semaphore(%arg8 : memref<!tpu.dma_semaphore, #tpu.memory_space<semaphore_mem>>) src(%dma_wait3A_12 : memref<100000xf32, #tpu.memory_space<hbm>>) dst(%arg5 : memref<100000xf32, #tpu.memory_space<vmem>>)
    %mul3A_13 = arith.constant 2 : i32
    %mul3A_14 = arith.muli %add3A, %mul3A_13 : i32
    %add3A_15 = arith.constant 0 : i32
    %add3A_16 = arith.addi %mul3A_14, %add3A_15 : i32
    %scan3A = arith.constant 0 : i32
    %scan3A_17 = arith.constant 32 : i32
    %scan3A_18 = arith.addi %scan3A, %scan3A_17 : i32
    %scan3A_19 = arith.constant 1 : i32
    scf.for %scan3A_40 = %scan3A to %scan3A_18 step %scan3A_19  : i32 {
      %mul3A_41 = arith.constant 256 : i32
      %mul3A_42 = arith.muli %scan3A_40, %mul3A_41 : i32
      %add3A_43 = arith.constant 0 : i32
      %add3A_44 = arith.addi %add3A_43, %mul3A_42 : i32
      %add3A_45 = arith.constant 0 : i32
      %add3A_46 = arith.addi %add3A_44, %add3A_45 : i32
      %get3A = arith.index_cast %add3A_46 : i32 to index
      %get3A_47 = tpu.vector_load %arg6[%get3A] {strides = array<i32>} : memref<16384xi32, #tpu.memory_space<vmem>>, vector<16xi32>,
      %add3A_48 = arith.constant 0 : i32
      %add3A_49 = arith.addi %add3A_48, %mul3A_42 : i32
      %add3A_50 = arith.constant 16 : i32
      %add3A_51 = arith.addi %add3A_49, %add3A_50 : i32
      %get3A_52 = arith.index_cast %add3A_51 : i32 to index
      %get3A_53 = tpu.vector_load %arg6[%get3A_52] {strides = array<i32>} : memref<16384xi32, #tpu.memory_space<vmem>>, vector<16xi32>,
      %add3A_54 = arith.constant 0 : i32
      %add3A_55 = arith.addi %add3A_54, %mul3A_42 : i32
      %add3A_56 = arith.constant 32 : i32
      %add3A_57 = arith.addi %add3A_55, %add3A_56 : i32
      %get3A_58 = arith.index_cast %add3A_57 : i32 to index
      %get3A_59 = tpu.vector_load %arg6[%get3A_58] {strides = array<i32>} : memref<16384xi32, #tpu.memory_space<vmem>>, vector<16xi32>,
      %add3A_60 = arith.constant 0 : i32
      %add3A_61 = arith.addi %add3A_60, %mul3A_42 : i32
      %add3A_62 = arith.constant 48 : i32
      %add3A_63 = arith.addi %add3A_61, %add3A_62 : i32
      %get3A_64 = arith.index_cast %add3A_63 : i32 to index
      %get3A_65 = tpu.vector_load %arg6[%get3A_64] {strides = array<i32>} : memref<16384xi32, #tpu.memory_space<vmem>>, vector<16xi32>,
      %add3A_66 = arith.constant 0 : i32
      %add3A_67 = arith.addi %add3A_66, %mul3A_42 : i32
      %add3A_68 = arith.constant 64 : i32
      %add3A_69 = arith.addi %add3A_67, %add3A_68 : i32
      %get3A_70 = arith.index_cast %add3A_69 : i32 to index
      %get3A_71 = tpu.vector_load %arg6[%get3A_70] {strides = array<i32>} : memref<16384xi32, #tpu.memory_space<vmem>>, vector<16xi32>,
      %add3A_72 = arith.constant 0 : i32
      %add3A_73 = arith.addi %add3A_72, %mul3A_42 : i32
      %add3A_74 = arith.constant 80 : i32
      %add3A_75 = arith.addi %add3A_73, %add3A_74 : i32
      %get3A_76 = arith.index_cast %add3A_75 : i32 to index
      %get3A_77 = tpu.vector_load %arg6[%get3A_76] {strides = array<i32>} : memref<16384xi32, #tpu.memory_space<vmem>>, vector<16xi32>,
      %add3A_78 = arith.constant 0 : i32
      %add3A_79 = arith.addi %add3A_78, %mul3A_42 : i32
      %add3A_80 = arith.constant 96 : i32
      %add3A_81 = arith.addi %add3A_79, %add3A_80 : i32
      %get3A_82 = arith.index_cast %add3A_81 : i32 to index
      %get3A_83 = tpu.vector_load %arg6[%get3A_82] {strides = array<i32>} : memref<16384xi32, #tpu.memory_space<vmem>>, vector<16xi32>,
      %add3A_84 = arith.constant 0 : i32
      %add3A_85 = arith.addi %add3A_84, %mul3A_42 : i32
      %add3A_86 = arith.constant 112 : i32
      %add3A_87 = arith.addi %add3A_85, %add3A_86 : i32
      %get3A_88 = arith.index_cast %add3A_87 : i32 to index
      %get3A_89 = tpu.vector_load %arg6[%get3A_88] {strides = array<i32>} : memref<16384xi32, #tpu.memory_space<vmem>>, vector<16xi32>,
      %add3A_90 = arith.constant 0 : i32
      %add3A_91 = arith.addi %add3A_90, %mul3A_42 : i32
      %add3A_92 = arith.constant 128 : i32
      %add3A_93 = arith.addi %add3A_91, %add3A_92 : i32
      %get3A_94 = arith.index_cast %add3A_93 : i32 to index
      %get3A_95 = tpu.vector_load %arg6[%get3A_94] {strides = array<i32>} : memref<16384xi32, #tpu.memory_space<vmem>>, vector<16xi32>,
      %add3A_96 = arith.constant 0 : i32
      %add3A_97 = arith.addi %add3A_96, %mul3A_42 : i32
      %add3A_98 = arith.constant 144 : i32
      %add3A_99 = arith.addi %add3A_97, %add3A_98 : i32
      %get3A_100 = arith.index_cast %add3A_99 : i32 to index
      %get3A_101 = tpu.vector_load %arg6[%get3A_100] {strides = array<i32>} : memref<16384xi32, #tpu.memory_space<vmem>>, vector<16xi32>,
      %add3A_102 = arith.constant 0 : i32
      %add3A_103 = arith.addi %add3A_102, %mul3A_42 : i32
      %add3A_104 = arith.constant 160 : i32
      %add3A_105 = arith.addi %add3A_103, %add3A_104 : i32
      %get3A_106 = arith.index_cast %add3A_105 : i32 to index
      %get3A_107 = tpu.vector_load %arg6[%get3A_106] {strides = array<i32>} : memref<16384xi32, #tpu.memory_space<vmem>>, vector<16xi32>,
      %add3A_108 = arith.constant 0 : i32
      %add3A_109 = arith.addi %add3A_108, %mul3A_42 : i32
      %add3A_110 = arith.constant 176 : i32
      %add3A_111 = arith.addi %add3A_109, %add3A_110 : i32
      %get3A_112 = arith.index_cast %add3A_111 : i32 to index
      %get3A_113 = tpu.vector_load %arg6[%get3A_112] {strides = array<i32>} : memref<16384xi32, #tpu.memory_space<vmem>>, vector<16xi32>,
      %add3A_114 = arith.constant 0 : i32
      %add3A_115 = arith.addi %add3A_114, %mul3A_42 : i32
      %add3A_116 = arith.constant 192 : i32
      %add3A_117 = arith.addi %add3A_115, %add3A_116 : i32
      %get3A_118 = arith.index_cast %add3A_117 : i32 to index
      %get3A_119 = tpu.vector_load %arg6[%get3A_118] {strides = array<i32>} : memref<16384xi32, #tpu.memory_space<vmem>>, vector<16xi32>,
      %add3A_120 = arith.constant 0 : i32
      %add3A_121 = arith.addi %add3A_120, %mul3A_42 : i32
      %add3A_122 = arith.constant 208 : i32
      %add3A_123 = arith.addi %add3A_121, %add3A_122 : i32
      %get3A_124 = arith.index_cast %add3A_123 : i32 to index
      %get3A_125 = tpu.vector_load %arg6[%get3A_124] {strides = array<i32>} : memref<16384xi32, #tpu.memory_space<vmem>>, vector<16xi32>,
      %add3A_126 = arith.constant 0 : i32
      %add3A_127 = arith.addi %add3A_126, %mul3A_42 : i32
      %add3A_128 = arith.constant 224 : i32
      %add3A_129 = arith.addi %add3A_127, %add3A_128 : i32
      %get3A_130 = arith.index_cast %add3A_129 : i32 to index
      %get3A_131 = tpu.vector_load %arg6[%get3A_130] {strides = array<i32>} : memref<16384xi32, #tpu.memory_space<vmem>>, vector<16xi32>,
      %add3A_132 = arith.constant 0 : i32
      %add3A_133 = arith.addi %add3A_132, %mul3A_42 : i32
      %add3A_134 = arith.constant 240 : i32
      %add3A_135 = arith.addi %add3A_133, %add3A_134 : i32
      %get3A_136 = arith.index_cast %add3A_135 : i32 to index
      %get3A_137 = tpu.vector_load %arg6[%get3A_136] {strides = array<i32>} : memref<16384xi32, #tpu.memory_space<vmem>>, vector<16xi32>,
      %gather3A = tpu.vector_load_idx %arg5[%get3A_47] : memref<100000xf32, #tpu.memory_space<vmem>>[vector<16xi32>], vector<16xf32>,
      %gather3A_138 = tpu.vector_load_idx %arg5[%get3A_53] : memref<100000xf32, #tpu.memory_space<vmem>>[vector<16xi32>], vector<16xf32>,
      %gather3A_139 = tpu.vector_load_idx %arg5[%get3A_59] : memref<100000xf32, #tpu.memory_space<vmem>>[vector<16xi32>], vector<16xf32>,
      %gather3A_140 = tpu.vector_load_idx %arg5[%get3A_65] : memref<100000xf32, #tpu.memory_space<vmem>>[vector<16xi32>], vector<16xf32>,
      %gather3A_141 = tpu.vector_load_idx %arg5[%get3A_71] : memref<100000xf32, #tpu.memory_space<vmem>>[vector<16xi32>], vector<16xf32>,
      %gather3A_142 = tpu.vector_load_idx %arg5[%get3A_77] : memref<100000xf32, #tpu.memory_space<vmem>>[vector<16xi32>], vector<16xf32>,
      %gather3A_143 = tpu.vector_load_idx %arg5[%get3A_83] : memref<100000xf32, #tpu.memory_space<vmem>>[vector<16xi32>], vector<16xf32>,
      %gather3A_144 = tpu.vector_load_idx %arg5[%get3A_89] : memref<100000xf32, #tpu.memory_space<vmem>>[vector<16xi32>], vector<16xf32>,
      %gather3A_145 = tpu.vector_load_idx %arg5[%get3A_95] : memref<100000xf32, #tpu.memory_space<vmem>>[vector<16xi32>], vector<16xf32>,
      %gather3A_146 = tpu.vector_load_idx %arg5[%get3A_101] : memref<100000xf32, #tpu.memory_space<vmem>>[vector<16xi32>], vector<16xf32>,
      %gather3A_147 = tpu.vector_load_idx %arg5[%get3A_107] : memref<100000xf32, #tpu.memory_space<vmem>>[vector<16xi32>], vector<16xf32>,
      %gather3A_148 = tpu.vector_load_idx %arg5[%get3A_113] : memref<100000xf32, #tpu.memory_space<vmem>>[vector<16xi32>], vector<16xf32>,
      %gather3A_149 = tpu.vector_load_idx %arg5[%get3A_119] : memref<100000xf32, #tpu.memory_space<vmem>>[vector<16xi32>], vector<16xf32>,
      %gather3A_150 = tpu.vector_load_idx %arg5[%get3A_125] : memref<100000xf32, #tpu.memory_space<vmem>>[vector<16xi32>], vector<16xf32>,
      %gather3A_151 = tpu.vector_load_idx %arg5[%get3A_131] : memref<100000xf32, #tpu.memory_space<vmem>>[vector<16xi32>], vector<16xf32>,
      %gather3A_152 = tpu.vector_load_idx %arg5[%get3A_137] : memref<100000xf32, #tpu.memory_space<vmem>>[vector<16xi32>], vector<16xf32>,
      %add3A_153 = arith.constant 0 : i32
      %add3A_154 = arith.addi %mul3A_42, %add3A_153 : i32
      %swap3A = arith.index_cast %add3A_154 : i32 to index
      %swap3A_155 = tpu.vector_load %arg7[%swap3A] {strides = array<i32>} : memref<8192xf32, #tpu.memory_space<vmem>>, vector<16xf32>,
      tpu.vector_store %arg7[%swap3A], %gather3A {strides = array<i32>} : memref<8192xf32, #tpu.memory_space<vmem>>, vector<16xf32>,
      %add3A_156 = arith.constant 16 : i32
      %add3A_157 = arith.addi %mul3A_42, %add3A_156 : i32
      %swap3A_158 = arith.index_cast %add3A_157 : i32 to index
      %swap3A_159 = tpu.vector_load %arg7[%swap3A_158] {strides = array<i32>} : memref<8192xf32, #tpu.memory_space<vmem>>, vector<16xf32>,
      tpu.vector_store %arg7[%swap3A_158], %gather3A_138 {strides = array<i32>} : memref<8192xf32, #tpu.memory_space<vmem>>, vector<16xf32>,
      %add3A_160 = arith.constant 32 : i32
      %add3A_161 = arith.addi %mul3A_42, %add3A_160 : i32
      %swap3A_162 = arith.index_cast %add3A_161 : i32 to index
      %swap3A_163 = tpu.vector_load %arg7[%swap3A_162] {strides = array<i32>} : memref<8192xf32, #tpu.memory_space<vmem>>, vector<16xf32>,
      tpu.vector_store %arg7[%swap3A_162], %gather3A_139 {strides = array<i32>} : memref<8192xf32, #tpu.memory_space<vmem>>, vector<16xf32>,
      %add3A_164 = arith.constant 48 : i32
      %add3A_165 = arith.addi %mul3A_42, %add3A_164 : i32
      %swap3A_166 = arith.index_cast %add3A_165 : i32 to index
      %swap3A_167 = tpu.vector_load %arg7[%swap3A_166] {strides = array<i32>} : memref<8192xf32, #tpu.memory_space<vmem>>, vector<16xf32>,
      tpu.vector_store %arg7[%swap3A_166], %gather3A_140 {strides = array<i32>} : memref<8192xf32, #tpu.memory_space<vmem>>, vector<16xf32>,
      %add3A_168 = arith.constant 64 : i32
      %add3A_169 = arith.addi %mul3A_42, %add3A_168 : i32
      %swap3A_170 = arith.index_cast %add3A_169 : i32 to index
      %swap3A_171 = tpu.vector_load %arg7[%swap3A_170] {strides = array<i32>} : memref<8192xf32, #tpu.memory_space<vmem>>, vector<16xf32>,
      tpu.vector_store %arg7[%swap3A_170], %gather3A_141 {strides = array<i32>} : memref<8192xf32, #tpu.memory_space<vmem>>, vector<16xf32>,
      %add3A_172 = arith.constant 80 : i32
      %add3A_173 = arith.addi %mul3A_42, %add3A_172 : i32
      %swap3A_174 = arith.index_cast %add3A_173 : i32 to index
      %swap3A_175 = tpu.vector_load %arg7[%swap3A_174] {strides = array<i32>} : memref<8192xf32, #tpu.memory_space<vmem>>, vector<16xf32>,
      tpu.vector_store %arg7[%swap3A_174], %gather3A_142 {strides = array<i32>} : memref<8192xf32, #tpu.memory_space<vmem>>, vector<16xf32>,
      %add3A_176 = arith.constant 96 : i32
      %add3A_177 = arith.addi %mul3A_42, %add3A_176 : i32
      %swap3A_178 = arith.index_cast %add3A_177 : i32 to index
      %swap3A_179 = tpu.vector_load %arg7[%swap3A_178] {strides = array<i32>} : memref<8192xf32, #tpu.memory_space<vmem>>, vector<16xf32>,
      tpu.vector_store %arg7[%swap3A_178], %gather3A_143 {strides = array<i32>} : memref<8192xf32, #tpu.memory_space<vmem>>, vector<16xf32>,
      %add3A_180 = arith.constant 112 : i32
      %add3A_181 = arith.addi %mul3A_42, %add3A_180 : i32
      %swap3A_182 = arith.index_cast %add3A_181 : i32 to index
      %swap3A_183 = tpu.vector_load %arg7[%swap3A_182] {strides = array<i32>} : memref<8192xf32, #tpu.memory_space<vmem>>, vector<16xf32>,
      tpu.vector_store %arg7[%swap3A_182], %gather3A_144 {strides = array<i32>} : memref<8192xf32, #tpu.memory_space<vmem>>, vector<16xf32>,
      %add3A_184 = arith.constant 128 : i32
      %add3A_185 = arith.addi %mul3A_42, %add3A_184 : i32
      %swap3A_186 = arith.index_cast %add3A_185 : i32 to index
      %swap3A_187 = tpu.vector_load %arg7[%swap3A_186] {strides = array<i32>} : memref<8192xf32, #tpu.memory_space<vmem>>, vector<16xf32>,
      tpu.vector_store %arg7[%swap3A_186], %gather3A_145 {strides = array<i32>} : memref<8192xf32, #tpu.memory_space<vmem>>, vector<16xf32>,
      %add3A_188 = arith.constant 144 : i32
      %add3A_189 = arith.addi %mul3A_42, %add3A_188 : i32
      %swap3A_190 = arith.index_cast %add3A_189 : i32 to index
      %swap3A_191 = tpu.vector_load %arg7[%swap3A_190] {strides = array<i32>} : memref<8192xf32, #tpu.memory_space<vmem>>, vector<16xf32>,
      tpu.vector_store %arg7[%swap3A_190], %gather3A_146 {strides = array<i32>} : memref<8192xf32, #tpu.memory_space<vmem>>, vector<16xf32>,
      %add3A_192 = arith.constant 160 : i32
      %add3A_193 = arith.addi %mul3A_42, %add3A_192 : i32
      %swap3A_194 = arith.index_cast %add3A_193 : i32 to index
      %swap3A_195 = tpu.vector_load %arg7[%swap3A_194] {strides = array<i32>} : memref<8192xf32, #tpu.memory_space<vmem>>, vector<16xf32>,
      tpu.vector_store %arg7[%swap3A_194], %gather3A_147 {strides = array<i32>} : memref<8192xf32, #tpu.memory_space<vmem>>, vector<16xf32>,
      %add3A_196 = arith.constant 176 : i32
      %add3A_197 = arith.addi %mul3A_42, %add3A_196 : i32
      %swap3A_198 = arith.index_cast %add3A_197 : i32 to index
      %swap3A_199 = tpu.vector_load %arg7[%swap3A_198] {strides = array<i32>} : memref<8192xf32, #tpu.memory_space<vmem>>, vector<16xf32>,
      tpu.vector_store %arg7[%swap3A_198], %gather3A_148 {strides = array<i32>} : memref<8192xf32, #tpu.memory_space<vmem>>, vector<16xf32>,
      %add3A_200 = arith.constant 192 : i32
      %add3A_201 = arith.addi %mul3A_42, %add3A_200 : i32
      %swap3A_202 = arith.index_cast %add3A_201 : i32 to index
      %swap3A_203 = tpu.vector_load %arg7[%swap3A_202] {strides = array<i32>} : memref<8192xf32, #tpu.memory_space<vmem>>, vector<16xf32>,
      tpu.vector_store %arg7[%swap3A_202], %gather3A_149 {strides = array<i32>} : memref<8192xf32, #tpu.memory_space<vmem>>, vector<16xf32>,
      %add3A_204 = arith.constant 208 : i32
      %add3A_205 = arith.addi %mul3A_42, %add3A_204 : i32
      %swap3A_206 = arith.index_cast %add3A_205 : i32 to index
      %swap3A_207 = tpu.vector_load %arg7[%swap3A_206] {strides = array<i32>} : memref<8192xf32, #tpu.memory_space<vmem>>, vector<16xf32>,
      tpu.vector_store %arg7[%swap3A_206], %gather3A_150 {strides = array<i32>} : memref<8192xf32, #tpu.memory_space<vmem>>, vector<16xf32>,
      %add3A_208 = arith.constant 224 : i32
      %add3A_209 = arith.addi %mul3A_42, %add3A_208 : i32
      %swap3A_210 = arith.index_cast %add3A_209 : i32 to index
      %swap3A_211 = tpu.vector_load %arg7[%swap3A_210] {strides = array<i32>} : memref<8192xf32, #tpu.memory_space<vmem>>, vector<16xf32>,
      tpu.vector_store %arg7[%swap3A_210], %gather3A_151 {strides = array<i32>} : memref<8192xf32, #tpu.memory_space<vmem>>, vector<16xf32>,
      %add3A_212 = arith.constant 240 : i32
      %add3A_213 = arith.addi %mul3A_42, %add3A_212 : i32
      %swap3A_214 = arith.index_cast %add3A_213 : i32 to index
      %swap3A_215 = tpu.vector_load %arg7[%swap3A_214] {strides = array<i32>} : memref<8192xf32, #tpu.memory_space<vmem>>, vector<16xf32>,
      tpu.vector_store %arg7[%swap3A_214], %gather3A_152 {strides = array<i32>} : memref<8192xf32, #tpu.memory_space<vmem>>, vector<16xf32>,
    }
    %scan3A_20 = arith.constant 32 : i32
    "tpu.region"() ({
      %run_scoped3A = tpu.sem_alloc : memref<!tpu.dma_semaphore, #tpu.memory_space<semaphore_mem>>
      %dma_start3A_40 = arith.constant 0 : i32
      %dma_start3A_41 = tpu.memref_slice %arg4[%add3A_16, %dma_start3A_40] : memref<64x16384xf32, #tpu.memory_space<hbm>> -> memref<1x8192xf32, #tpu.memory_space<hbm>>
      %dma_start3A_42 = tpu.memref_squeeze %dma_start3A_41 : memref<1x8192xf32, #tpu.memory_space<hbm>> -> memref<8192xf32, #tpu.memory_space<hbm>>
      %dma_start3A_43 = arith.constant 0 : i32
      %dma_start3A_44 = tpu.memref_slice %arg4[%add3A_16, %dma_start3A_43] : memref<64x16384xf32, #tpu.memory_space<hbm>> -> memref<1x8192xf32, #tpu.memory_space<hbm>>
      %dma_start3A_45 = tpu.memref_squeeze %dma_start3A_44 : memref<1x8192xf32, #tpu.memory_space<hbm>> -> memref<8192xf32, #tpu.memory_space<hbm>>
      tpu.enqueue_dma source(%arg7 : memref<8192xf32, #tpu.memory_space<vmem>>) target(%dma_start3A_45 : memref<8192xf32, #tpu.memory_space<hbm>>) target_semaphore(%run_scoped3A : memref<!tpu.dma_semaphore, #tpu.memory_space<semaphore_mem>>)
      %dma_wait3A_46 = arith.constant 0 : i32
      %dma_wait3A_47 = tpu.memref_slice %arg4[%add3A_16, %dma_wait3A_46] : memref<64x16384xf32, #tpu.memory_space<hbm>> -> memref<1x8192xf32, #tpu.memory_space<hbm>>
      %dma_wait3A_48 = tpu.memref_squeeze %dma_wait3A_47 : memref<1x8192xf32, #tpu.memory_space<hbm>> -> memref<8192xf32, #tpu.memory_space<hbm>>
      %dma_wait3A_49 = arith.constant 0 : i32
      %dma_wait3A_50 = tpu.memref_slice %arg4[%add3A_16, %dma_wait3A_49] : memref<64x16384xf32, #tpu.memory_space<hbm>> -> memref<1x8192xf32, #tpu.memory_space<hbm>>
      %dma_wait3A_51 = tpu.memref_squeeze %dma_wait3A_50 : memref<1x8192xf32, #tpu.memory_space<hbm>> -> memref<8192xf32, #tpu.memory_space<hbm>>
      tpu.wait_dma2 semaphore(%run_scoped3A : memref<!tpu.dma_semaphore, #tpu.memory_space<semaphore_mem>>) src(%arg7 : memref<8192xf32, #tpu.memory_space<vmem>>) dst(%dma_wait3A_51 : memref<8192xf32, #tpu.memory_space<hbm>>)
      tpu.yield
    }) : () -> ()
    %scan3A_21 = arith.constant 0 : i32
    %scan3A_22 = arith.constant 32 : i32
    %scan3A_23 = arith.addi %scan3A_21, %scan3A_22 : i32
    %scan3A_24 = arith.constant 1 : i32
    scf.for %scan3A_40 = %scan3A_21 to %scan3A_23 step %scan3A_24  : i32 {
      %mul3A_41 = arith.constant 256 : i32
      %mul3A_42 = arith.muli %scan3A_40, %mul3A_41 : i32
      %add3A_43 = arith.constant 8192 : i32
      %add3A_44 = arith.addi %add3A_43, %mul3A_42 : i32
      %add3A_45 = arith.constant 0 : i32
      %add3A_46 = arith.addi %add3A_44, %add3A_45 : i32
      %get3A = arith.index_cast %add3A_46 : i32 to index
      %get3A_47 = tpu.vector_load %arg6[%get3A] {strides = array<i32>} : memref<16384xi32, #tpu.memory_space<vmem>>, vector<16xi32>,
      %add3A_48 = arith.constant 8192 : i32
      %add3A_49 = arith.addi %add3A_48, %mul3A_42 : i32
      %add3A_50 = arith.constant 16 : i32
      %add3A_51 = arith.addi %add3A_49, %add3A_50 : i32
      %get3A_52 = arith.index_cast %add3A_51 : i32 to index
      %get3A_53 = tpu.vector_load %arg6[%get3A_52] {strides = array<i32>} : memref<16384xi32, #tpu.memory_space<vmem>>, vector<16xi32>,
      %add3A_54 = arith.constant 8192 : i32
      %add3A_55 = arith.addi %add3A_54, %mul3A_42 : i32
      %add3A_56 = arith.constant 32 : i32
      %add3A_57 = arith.addi %add3A_55, %add3A_56 : i32
      %get3A_58 = arith.index_cast %add3A_57 : i32 to index
      %get3A_59 = tpu.vector_load %arg6[%get3A_58] {strides = array<i32>} : memref<16384xi32, #tpu.memory_space<vmem>>, vector<16xi32>,
      %add3A_60 = arith.constant 8192 : i32
      %add3A_61 = arith.addi %add3A_60, %mul3A_42 : i32
      %add3A_62 = arith.constant 48 : i32
      %add3A_63 = arith.addi %add3A_61, %add3A_62 : i32
      %get3A_64 = arith.index_cast %add3A_63 : i32 to index
      %get3A_65 = tpu.vector_load %arg6[%get3A_64] {strides = array<i32>} : memref<16384xi32, #tpu.memory_space<vmem>>, vector<16xi32>,
      %add3A_66 = arith.constant 8192 : i32
      %add3A_67 = arith.addi %add3A_66, %mul3A_42 : i32
      %add3A_68 = arith.constant 64 : i32
      %add3A_69 = arith.addi %add3A_67, %add3A_68 : i32
      %get3A_70 = arith.index_cast %add3A_69 : i32 to index
      %get3A_71 = tpu.vector_load %arg6[%get3A_70] {strides = array<i32>} : memref<16384xi32, #tpu.memory_space<vmem>>, vector<16xi32>,
      %add3A_72 = arith.constant 8192 : i32
      %add3A_73 = arith.addi %add3A_72, %mul3A_42 : i32
      %add3A_74 = arith.constant 80 : i32
      %add3A_75 = arith.addi %add3A_73, %add3A_74 : i32
      %get3A_76 = arith.index_cast %add3A_75 : i32 to index
      %get3A_77 = tpu.vector_load %arg6[%get3A_76] {strides = array<i32>} : memref<16384xi32, #tpu.memory_space<vmem>>, vector<16xi32>,
      %add3A_78 = arith.constant 8192 : i32
      %add3A_79 = arith.addi %add3A_78, %mul3A_42 : i32
      %add3A_80 = arith.constant 96 : i32
      %add3A_81 = arith.addi %add3A_79, %add3A_80 : i32
      %get3A_82 = arith.index_cast %add3A_81 : i32 to index
      %get3A_83 = tpu.vector_load %arg6[%get3A_82] {strides = array<i32>} : memref<16384xi32, #tpu.memory_space<vmem>>, vector<16xi32>,
      %add3A_84 = arith.constant 8192 : i32
      %add3A_85 = arith.addi %add3A_84, %mul3A_42 : i32
      %add3A_86 = arith.constant 112 : i32
      %add3A_87 = arith.addi %add3A_85, %add3A_86 : i32
      %get3A_88 = arith.index_cast %add3A_87 : i32 to index
      %get3A_89 = tpu.vector_load %arg6[%get3A_88] {strides = array<i32>} : memref<16384xi32, #tpu.memory_space<vmem>>, vector<16xi32>,
      %add3A_90 = arith.constant 8192 : i32
      %add3A_91 = arith.addi %add3A_90, %mul3A_42 : i32
      %add3A_92 = arith.constant 128 : i32
      %add3A_93 = arith.addi %add3A_91, %add3A_92 : i32
      %get3A_94 = arith.index_cast %add3A_93 : i32 to index
      %get3A_95 = tpu.vector_load %arg6[%get3A_94] {strides = array<i32>} : memref<16384xi32, #tpu.memory_space<vmem>>, vector<16xi32>,
      %add3A_96 = arith.constant 8192 : i32
      %add3A_97 = arith.addi %add3A_96, %mul3A_42 : i32
      %add3A_98 = arith.constant 144 : i32
      %add3A_99 = arith.addi %add3A_97, %add3A_98 : i32
      %get3A_100 = arith.index_cast %add3A_99 : i32 to index
      %get3A_101 = tpu.vector_load %arg6[%get3A_100] {strides = array<i32>} : memref<16384xi32, #tpu.memory_space<vmem>>, vector<16xi32>,
      %add3A_102 = arith.constant 8192 : i32
      %add3A_103 = arith.addi %add3A_102, %mul3A_42 : i32
      %add3A_104 = arith.constant 160 : i32
      %add3A_105 = arith.addi %add3A_103, %add3A_104 : i32
      %get3A_106 = arith.index_cast %add3A_105 : i32 to index
      %get3A_107 = tpu.vector_load %arg6[%get3A_106] {strides = array<i32>} : memref<16384xi32, #tpu.memory_space<vmem>>, vector<16xi32>,
      %add3A_108 = arith.constant 8192 : i32
      %add3A_109 = arith.addi %add3A_108, %mul3A_42 : i32
      %add3A_110 = arith.constant 176 : i32
      %add3A_111 = arith.addi %add3A_109, %add3A_110 : i32
      %get3A_112 = arith.index_cast %add3A_111 : i32 to index
      %get3A_113 = tpu.vector_load %arg6[%get3A_112] {strides = array<i32>} : memref<16384xi32, #tpu.memory_space<vmem>>, vector<16xi32>,
      %add3A_114 = arith.constant 8192 : i32
      %add3A_115 = arith.addi %add3A_114, %mul3A_42 : i32
      %add3A_116 = arith.constant 192 : i32
      %add3A_117 = arith.addi %add3A_115, %add3A_116 : i32
      %get3A_118 = arith.index_cast %add3A_117 : i32 to index
      %get3A_119 = tpu.vector_load %arg6[%get3A_118] {strides = array<i32>} : memref<16384xi32, #tpu.memory_space<vmem>>, vector<16xi32>,
      %add3A_120 = arith.constant 8192 : i32
      %add3A_121 = arith.addi %add3A_120, %mul3A_42 : i32
      %add3A_122 = arith.constant 208 : i32
      %add3A_123 = arith.addi %add3A_121, %add3A_122 : i32
      %get3A_124 = arith.index_cast %add3A_123 : i32 to index
      %get3A_125 = tpu.vector_load %arg6[%get3A_124] {strides = array<i32>} : memref<16384xi32, #tpu.memory_space<vmem>>, vector<16xi32>,
      %add3A_126 = arith.constant 8192 : i32
      %add3A_127 = arith.addi %add3A_126, %mul3A_42 : i32
      %add3A_128 = arith.constant 224 : i32
      %add3A_129 = arith.addi %add3A_127, %add3A_128 : i32
      %get3A_130 = arith.index_cast %add3A_129 : i32 to index
      %get3A_131 = tpu.vector_load %arg6[%get3A_130] {strides = array<i32>} : memref<16384xi32, #tpu.memory_space<vmem>>, vector<16xi32>,
      %add3A_132 = arith.constant 8192 : i32
      %add3A_133 = arith.addi %add3A_132, %mul3A_42 : i32
      %add3A_134 = arith.constant 240 : i32
      %add3A_135 = arith.addi %add3A_133, %add3A_134 : i32
      %get3A_136 = arith.index_cast %add3A_135 : i32 to index
      %get3A_137 = tpu.vector_load %arg6[%get3A_136] {strides = array<i32>} : memref<16384xi32, #tpu.memory_space<vmem>>, vector<16xi32>,
      %gather3A = tpu.vector_load_idx %arg5[%get3A_47] : memref<100000xf32, #tpu.memory_space<vmem>>[vector<16xi32>], vector<16xf32>,
      %gather3A_138 = tpu.vector_load_idx %arg5[%get3A_53] : memref<100000xf32, #tpu.memory_space<vmem>>[vector<16xi32>], vector<16xf32>,
      %gather3A_139 = tpu.vector_load_idx %arg5[%get3A_59] : memref<100000xf32, #tpu.memory_space<vmem>>[vector<16xi32>], vector<16xf32>,
      %gather3A_140 = tpu.vector_load_idx %arg5[%get3A_65] : memref<100000xf32, #tpu.memory_space<vmem>>[vector<16xi32>], vector<16xf32>,
      %gather3A_141 = tpu.vector_load_idx %arg5[%get3A_71] : memref<100000xf32, #tpu.memory_space<vmem>>[vector<16xi32>], vector<16xf32>,
      %gather3A_142 = tpu.vector_load_idx %arg5[%get3A_77] : memref<100000xf32, #tpu.memory_space<vmem>>[vector<16xi32>], vector<16xf32>,
      %gather3A_143 = tpu.vector_load_idx %arg5[%get3A_83] : memref<100000xf32, #tpu.memory_space<vmem>>[vector<16xi32>], vector<16xf32>,
      %gather3A_144 = tpu.vector_load_idx %arg5[%get3A_89] : memref<100000xf32, #tpu.memory_space<vmem>>[vector<16xi32>], vector<16xf32>,
      %gather3A_145 = tpu.vector_load_idx %arg5[%get3A_95] : memref<100000xf32, #tpu.memory_space<vmem>>[vector<16xi32>], vector<16xf32>,
      %gather3A_146 = tpu.vector_load_idx %arg5[%get3A_101] : memref<100000xf32, #tpu.memory_space<vmem>>[vector<16xi32>], vector<16xf32>,
      %gather3A_147 = tpu.vector_load_idx %arg5[%get3A_107] : memref<100000xf32, #tpu.memory_space<vmem>>[vector<16xi32>], vector<16xf32>,
      %gather3A_148 = tpu.vector_load_idx %arg5[%get3A_113] : memref<100000xf32, #tpu.memory_space<vmem>>[vector<16xi32>], vector<16xf32>,
      %gather3A_149 = tpu.vector_load_idx %arg5[%get3A_119] : memref<100000xf32, #tpu.memory_space<vmem>>[vector<16xi32>], vector<16xf32>,
      %gather3A_150 = tpu.vector_load_idx %arg5[%get3A_125] : memref<100000xf32, #tpu.memory_space<vmem>>[vector<16xi32>], vector<16xf32>,
      %gather3A_151 = tpu.vector_load_idx %arg5[%get3A_131] : memref<100000xf32, #tpu.memory_space<vmem>>[vector<16xi32>], vector<16xf32>,
      %gather3A_152 = tpu.vector_load_idx %arg5[%get3A_137] : memref<100000xf32, #tpu.memory_space<vmem>>[vector<16xi32>], vector<16xf32>,
      %add3A_153 = arith.constant 0 : i32
      %add3A_154 = arith.addi %mul3A_42, %add3A_153 : i32
      %swap3A = arith.index_cast %add3A_154 : i32 to index
      %swap3A_155 = tpu.vector_load %arg7[%swap3A] {strides = array<i32>} : memref<8192xf32, #tpu.memory_space<vmem>>, vector<16xf32>,
      tpu.vector_store %arg7[%swap3A], %gather3A {strides = array<i32>} : memref<8192xf32, #tpu.memory_space<vmem>>, vector<16xf32>,
      %add3A_156 = arith.constant 16 : i32
      %add3A_157 = arith.addi %mul3A_42, %add3A_156 : i32
      %swap3A_158 = arith.index_cast %add3A_157 : i32 to index
      %swap3A_159 = tpu.vector_load %arg7[%swap3A_158] {strides = array<i32>} : memref<8192xf32, #tpu.memory_space<vmem>>, vector<16xf32>,
      tpu.vector_store %arg7[%swap3A_158], %gather3A_138 {strides = array<i32>} : memref<8192xf32, #tpu.memory_space<vmem>>, vector<16xf32>,
      %add3A_160 = arith.constant 32 : i32
      %add3A_161 = arith.addi %mul3A_42, %add3A_160 : i32
      %swap3A_162 = arith.index_cast %add3A_161 : i32 to index
      %swap3A_163 = tpu.vector_load %arg7[%swap3A_162] {strides = array<i32>} : memref<8192xf32, #tpu.memory_space<vmem>>, vector<16xf32>,
      tpu.vector_store %arg7[%swap3A_162], %gather3A_139 {strides = array<i32>} : memref<8192xf32, #tpu.memory_space<vmem>>, vector<16xf32>,
      %add3A_164 = arith.constant 48 : i32
      %add3A_165 = arith.addi %mul3A_42, %add3A_164 : i32
      %swap3A_166 = arith.index_cast %add3A_165 : i32 to index
      %swap3A_167 = tpu.vector_load %arg7[%swap3A_166] {strides = array<i32>} : memref<8192xf32, #tpu.memory_space<vmem>>, vector<16xf32>,
      tpu.vector_store %arg7[%swap3A_166], %gather3A_140 {strides = array<i32>} : memref<8192xf32, #tpu.memory_space<vmem>>, vector<16xf32>,
      %add3A_168 = arith.constant 64 : i32
      %add3A_169 = arith.addi %mul3A_42, %add3A_168 : i32
      %swap3A_170 = arith.index_cast %add3A_169 : i32 to index
      %swap3A_171 = tpu.vector_load %arg7[%swap3A_170] {strides = array<i32>} : memref<8192xf32, #tpu.memory_space<vmem>>, vector<16xf32>,
      tpu.vector_store %arg7[%swap3A_170], %gather3A_141 {strides = array<i32>} : memref<8192xf32, #tpu.memory_space<vmem>>, vector<16xf32>,
      %add3A_172 = arith.constant 80 : i32
      %add3A_173 = arith.addi %mul3A_42, %add3A_172 : i32
      %swap3A_174 = arith.index_cast %add3A_173 : i32 to index
      %swap3A_175 = tpu.vector_load %arg7[%swap3A_174] {strides = array<i32>} : memref<8192xf32, #tpu.memory_space<vmem>>, vector<16xf32>,
      tpu.vector_store %arg7[%swap3A_174], %gather3A_142 {strides = array<i32>} : memref<8192xf32, #tpu.memory_space<vmem>>, vector<16xf32>,
      %add3A_176 = arith.constant 96 : i32
      %add3A_177 = arith.addi %mul3A_42, %add3A_176 : i32
      %swap3A_178 = arith.index_cast %add3A_177 : i32 to index
      %swap3A_179 = tpu.vector_load %arg7[%swap3A_178] {strides = array<i32>} : memref<8192xf32, #tpu.memory_space<vmem>>, vector<16xf32>,
      tpu.vector_store %arg7[%swap3A_178], %gather3A_143 {strides = array<i32>} : memref<8192xf32, #tpu.memory_space<vmem>>, vector<16xf32>,
      %add3A_180 = arith.constant 112 : i32
      %add3A_181 = arith.addi %mul3A_42, %add3A_180 : i32
      %swap3A_182 = arith.index_cast %add3A_181 : i32 to index
      %swap3A_183 = tpu.vector_load %arg7[%swap3A_182] {strides = array<i32>} : memref<8192xf32, #tpu.memory_space<vmem>>, vector<16xf32>,
      tpu.vector_store %arg7[%swap3A_182], %gather3A_144 {strides = array<i32>} : memref<8192xf32, #tpu.memory_space<vmem>>, vector<16xf32>,
      %add3A_184 = arith.constant 128 : i32
      %add3A_185 = arith.addi %mul3A_42, %add3A_184 : i32
      %swap3A_186 = arith.index_cast %add3A_185 : i32 to index
      %swap3A_187 = tpu.vector_load %arg7[%swap3A_186] {strides = array<i32>} : memref<8192xf32, #tpu.memory_space<vmem>>, vector<16xf32>,
      tpu.vector_store %arg7[%swap3A_186], %gather3A_145 {strides = array<i32>} : memref<8192xf32, #tpu.memory_space<vmem>>, vector<16xf32>,
      %add3A_188 = arith.constant 144 : i32
      %add3A_189 = arith.addi %mul3A_42, %add3A_188 : i32
      %swap3A_190 = arith.index_cast %add3A_189 : i32 to index
      %swap3A_191 = tpu.vector_load %arg7[%swap3A_190] {strides = array<i32>} : memref<8192xf32, #tpu.memory_space<vmem>>, vector<16xf32>,
      tpu.vector_store %arg7[%swap3A_190], %gather3A_146 {strides = array<i32>} : memref<8192xf32, #tpu.memory_space<vmem>>, vector<16xf32>,
      %add3A_192 = arith.constant 160 : i32
      %add3A_193 = arith.addi %mul3A_42, %add3A_192 : i32
      %swap3A_194 = arith.index_cast %add3A_193 : i32 to index
      %swap3A_195 = tpu.vector_load %arg7[%swap3A_194] {strides = array<i32>} : memref<8192xf32, #tpu.memory_space<vmem>>, vector<16xf32>,
      tpu.vector_store %arg7[%swap3A_194], %gather3A_147 {strides = array<i32>} : memref<8192xf32, #tpu.memory_space<vmem>>, vector<16xf32>,
      %add3A_196 = arith.constant 176 : i32
      %add3A_197 = arith.addi %mul3A_42, %add3A_196 : i32
      %swap3A_198 = arith.index_cast %add3A_197 : i32 to index
      %swap3A_199 = tpu.vector_load %arg7[%swap3A_198] {strides = array<i32>} : memref<8192xf32, #tpu.memory_space<vmem>>, vector<16xf32>,
      tpu.vector_store %arg7[%swap3A_198], %gather3A_148 {strides = array<i32>} : memref<8192xf32, #tpu.memory_space<vmem>>, vector<16xf32>,
      %add3A_200 = arith.constant 192 : i32
      %add3A_201 = arith.addi %mul3A_42, %add3A_200 : i32
      %swap3A_202 = arith.index_cast %add3A_201 : i32 to index
      %swap3A_203 = tpu.vector_load %arg7[%swap3A_202] {strides = array<i32>} : memref<8192xf32, #tpu.memory_space<vmem>>, vector<16xf32>,
      tpu.vector_store %arg7[%swap3A_202], %gather3A_149 {strides = array<i32>} : memref<8192xf32, #tpu.memory_space<vmem>>, vector<16xf32>,
      %add3A_204 = arith.constant 208 : i32
      %add3A_205 = arith.addi %mul3A_42, %add3A_204 : i32
      %swap3A_206 = arith.index_cast %add3A_205 : i32 to index
      %swap3A_207 = tpu.vector_load %arg7[%swap3A_206] {strides = array<i32>} : memref<8192xf32, #tpu.memory_space<vmem>>, vector<16xf32>,
      tpu.vector_store %arg7[%swap3A_206], %gather3A_150 {strides = array<i32>} : memref<8192xf32, #tpu.memory_space<vmem>>, vector<16xf32>,
      %add3A_208 = arith.constant 224 : i32
      %add3A_209 = arith.addi %mul3A_42, %add3A_208 : i32
      %swap3A_210 = arith.index_cast %add3A_209 : i32 to index
      %swap3A_211 = tpu.vector_load %arg7[%swap3A_210] {strides = array<i32>} : memref<8192xf32, #tpu.memory_space<vmem>>, vector<16xf32>,
      tpu.vector_store %arg7[%swap3A_210], %gather3A_151 {strides = array<i32>} : memref<8192xf32, #tpu.memory_space<vmem>>, vector<16xf32>,
      %add3A_212 = arith.constant 240 : i32
      %add3A_213 = arith.addi %mul3A_42, %add3A_212 : i32
      %swap3A_214 = arith.index_cast %add3A_213 : i32 to index
      %swap3A_215 = tpu.vector_load %arg7[%swap3A_214] {strides = array<i32>} : memref<8192xf32, #tpu.memory_space<vmem>>, vector<16xf32>,
      tpu.vector_store %arg7[%swap3A_214], %gather3A_152 {strides = array<i32>} : memref<8192xf32, #tpu.memory_space<vmem>>, vector<16xf32>,
    }
    %scan3A_25 = arith.constant 32 : i32
    "tpu.region"() ({
      %run_scoped3A = tpu.sem_alloc : memref<!tpu.dma_semaphore, #tpu.memory_space<semaphore_mem>>
      %dma_start3A_40 = arith.constant 8192 : i32
      %dma_start3A_41 = tpu.memref_slice %arg4[%add3A_16, %dma_start3A_40] : memref<64x16384xf32, #tpu.memory_space<hbm>> -> memref<1x8192xf32, #tpu.memory_space<hbm>>
      %dma_start3A_42 = tpu.memref_squeeze %dma_start3A_41 : memref<1x8192xf32, #tpu.memory_space<hbm>> -> memref<8192xf32, #tpu.memory_space<hbm>>
      %dma_start3A_43 = arith.constant 8192 : i32
      %dma_start3A_44 = tpu.memref_slice %arg4[%add3A_16, %dma_start3A_43] : memref<64x16384xf32, #tpu.memory_space<hbm>> -> memref<1x8192xf32, #tpu.memory_space<hbm>>
      %dma_start3A_45 = tpu.memref_squeeze %dma_start3A_44 : memref<1x8192xf32, #tpu.memory_space<hbm>> -> memref<8192xf32, #tpu.memory_space<hbm>>
      tpu.enqueue_dma source(%arg7 : memref<8192xf32, #tpu.memory_space<vmem>>) target(%dma_start3A_45 : memref<8192xf32, #tpu.memory_space<hbm>>) target_semaphore(%run_scoped3A : memref<!tpu.dma_semaphore, #tpu.memory_space<semaphore_mem>>)
      %dma_wait3A_46 = arith.constant 8192 : i32
      %dma_wait3A_47 = tpu.memref_slice %arg4[%add3A_16, %dma_wait3A_46] : memref<64x16384xf32, #tpu.memory_space<hbm>> -> memref<1x8192xf32, #tpu.memory_space<hbm>>
      %dma_wait3A_48 = tpu.memref_squeeze %dma_wait3A_47 : memref<1x8192xf32, #tpu.memory_space<hbm>> -> memref<8192xf32, #tpu.memory_space<hbm>>
      %dma_wait3A_49 = arith.constant 8192 : i32
      %dma_wait3A_50 = tpu.memref_slice %arg4[%add3A_16, %dma_wait3A_49] : memref<64x16384xf32, #tpu.memory_space<hbm>> -> memref<1x8192xf32, #tpu.memory_space<hbm>>
      %dma_wait3A_51 = tpu.memref_squeeze %dma_wait3A_50 : memref<1x8192xf32, #tpu.memory_space<hbm>> -> memref<8192xf32, #tpu.memory_space<hbm>>
      tpu.wait_dma2 semaphore(%run_scoped3A : memref<!tpu.dma_semaphore, #tpu.memory_space<semaphore_mem>>) src(%arg7 : memref<8192xf32, #tpu.memory_space<vmem>>) dst(%dma_wait3A_51 : memref<8192xf32, #tpu.memory_space<hbm>>)
      tpu.yield
    }) : () -> ()
    %mul3A_26 = arith.constant 2 : i32
    %mul3A_27 = arith.muli %add3A, %mul3A_26 : i32
    %add3A_28 = arith.constant 1 : i32
    %add3A_29 = arith.addi %mul3A_27, %add3A_28 : i32
    "tpu.region"() ({
      %run_scoped3A = tpu.sem_alloc : memref<!tpu.dma_semaphore, #tpu.memory_space<semaphore_mem>>
      %dma_start3A_40 = arith.constant 0 : i32
      %dma_start3A_41 = tpu.memref_slice %arg3[%add3A_29, %dma_start3A_40] : memref<64x100000xf32, #tpu.memory_space<hbm>> -> memref<1x100000xf32, #tpu.memory_space<hbm>>
      %dma_start3A_42 = tpu.memref_squeeze %dma_start3A_41 : memref<1x100000xf32, #tpu.memory_space<hbm>> -> memref<100000xf32, #tpu.memory_space<hbm>>
      %dma_start3A_43 = arith.constant 0 : i32
      %dma_start3A_44 = tpu.memref_slice %arg3[%add3A_29, %dma_start3A_43] : memref<64x100000xf32, #tpu.memory_space<hbm>> -> memref<1x100000xf32, #tpu.memory_space<hbm>>
      %dma_start3A_45 = tpu.memref_squeeze %dma_start3A_44 : memref<1x100000xf32, #tpu.memory_space<hbm>> -> memref<100000xf32, #tpu.memory_space<hbm>>
      tpu.enqueue_dma source(%dma_start3A_45 : memref<100000xf32, #tpu.memory_space<hbm>>) target(%arg5 : memref<100000xf32, #tpu.memory_space<vmem>>) target_semaphore(%run_scoped3A : memref<!tpu.dma_semaphore, #tpu.memory_space<semaphore_mem>>)
      %dma_wait3A_46 = arith.constant 0 : i32
      %dma_wait3A_47 = tpu.memref_slice %arg3[%add3A_29, %dma_wait3A_46] : memref<64x100000xf32, #tpu.memory_space<hbm>> -> memref<1x100000xf32, #tpu.memory_space<hbm>>
      %dma_wait3A_48 = tpu.memref_squeeze %dma_wait3A_47 : memref<1x100000xf32, #tpu.memory_space<hbm>> -> memref<100000xf32, #tpu.memory_space<hbm>>
      %dma_wait3A_49 = arith.constant 0 : i32
      %dma_wait3A_50 = tpu.memref_slice %arg3[%add3A_29, %dma_wait3A_49] : memref<64x100000xf32, #tpu.memory_space<hbm>> -> memref<1x100000xf32, #tpu.memory_space<hbm>>
      %dma_wait3A_51 = tpu.memref_squeeze %dma_wait3A_50 : memref<1x100000xf32, #tpu.memory_space<hbm>> -> memref<100000xf32, #tpu.memory_space<hbm>>
      tpu.wait_dma2 semaphore(%run_scoped3A : memref<!tpu.dma_semaphore, #tpu.memory_space<semaphore_mem>>) src(%dma_wait3A_51 : memref<100000xf32, #tpu.memory_space<hbm>>) dst(%arg5 : memref<100000xf32, #tpu.memory_space<vmem>>)
      tpu.yield
    }) : () -> ()
    %scan3A_30 = arith.constant 0 : i32
    %scan3A_31 = arith.constant 32 : i32
    %scan3A_32 = arith.addi %scan3A_30, %scan3A_31 : i32
    %scan3A_33 = arith.constant 1 : i32
    scf.for %scan3A_40 = %scan3A_30 to %scan3A_32 step %scan3A_33  : i32 {
      %mul3A_41 = arith.constant 256 : i32
      %mul3A_42 = arith.muli %scan3A_40, %mul3A_41 : i32
      %add3A_43 = arith.constant 0 : i32
      %add3A_44 = arith.addi %add3A_43, %mul3A_42 : i32
      %add3A_45 = arith.constant 0 : i32
      %add3A_46 = arith.addi %add3A_44, %add3A_45 : i32
      %get3A = arith.index_cast %add3A_46 : i32 to index
      %get3A_47 = tpu.vector_load %arg6[%get3A] {strides = array<i32>} : memref<16384xi32, #tpu.memory_space<vmem>>, vector<16xi32>,
      %add3A_48 = arith.constant 0 : i32
      %add3A_49 = arith.addi %add3A_48, %mul3A_42 : i32
      %add3A_50 = arith.constant 16 : i32
      %add3A_51 = arith.addi %add3A_49, %add3A_50 : i32
      %get3A_52 = arith.index_cast %add3A_51 : i32 to index
      %get3A_53 = tpu.vector_load %arg6[%get3A_52] {strides = array<i32>} : memref<16384xi32, #tpu.memory_space<vmem>>, vector<16xi32>,
      %add3A_54 = arith.constant 0 : i32
      %add3A_55 = arith.addi %add3A_54, %mul3A_42 : i32
      %add3A_56 = arith.constant 32 : i32
      %add3A_57 = arith.addi %add3A_55, %add3A_56 : i32
      %get3A_58 = arith.index_cast %add3A_57 : i32 to index
      %get3A_59 = tpu.vector_load %arg6[%get3A_58] {strides = array<i32>} : memref<16384xi32, #tpu.memory_space<vmem>>, vector<16xi32>,
      %add3A_60 = arith.constant 0 : i32
      %add3A_61 = arith.addi %add3A_60, %mul3A_42 : i32
      %add3A_62 = arith.constant 48 : i32
      %add3A_63 = arith.addi %add3A_61, %add3A_62 : i32
      %get3A_64 = arith.index_cast %add3A_63 : i32 to index
      %get3A_65 = tpu.vector_load %arg6[%get3A_64] {strides = array<i32>} : memref<16384xi32, #tpu.memory_space<vmem>>, vector<16xi32>,
      %add3A_66 = arith.constant 0 : i32
      %add3A_67 = arith.addi %add3A_66, %mul3A_42 : i32
      %add3A_68 = arith.constant 64 : i32
      %add3A_69 = arith.addi %add3A_67, %add3A_68 : i32
      %get3A_70 = arith.index_cast %add3A_69 : i32 to index
      %get3A_71 = tpu.vector_load %arg6[%get3A_70] {strides = array<i32>} : memref<16384xi32, #tpu.memory_space<vmem>>, vector<16xi32>,
      %add3A_72 = arith.constant 0 : i32
      %add3A_73 = arith.addi %add3A_72, %mul3A_42 : i32
      %add3A_74 = arith.constant 80 : i32
      %add3A_75 = arith.addi %add3A_73, %add3A_74 : i32
      %get3A_76 = arith.index_cast %add3A_75 : i32 to index
      %get3A_77 = tpu.vector_load %arg6[%get3A_76] {strides = array<i32>} : memref<16384xi32, #tpu.memory_space<vmem>>, vector<16xi32>,
      %add3A_78 = arith.constant 0 : i32
      %add3A_79 = arith.addi %add3A_78, %mul3A_42 : i32
      %add3A_80 = arith.constant 96 : i32
      %add3A_81 = arith.addi %add3A_79, %add3A_80 : i32
      %get3A_82 = arith.index_cast %add3A_81 : i32 to index
      %get3A_83 = tpu.vector_load %arg6[%get3A_82] {strides = array<i32>} : memref<16384xi32, #tpu.memory_space<vmem>>, vector<16xi32>,
      %add3A_84 = arith.constant 0 : i32
      %add3A_85 = arith.addi %add3A_84, %mul3A_42 : i32
      %add3A_86 = arith.constant 112 : i32
      %add3A_87 = arith.addi %add3A_85, %add3A_86 : i32
      %get3A_88 = arith.index_cast %add3A_87 : i32 to index
      %get3A_89 = tpu.vector_load %arg6[%get3A_88] {strides = array<i32>} : memref<16384xi32, #tpu.memory_space<vmem>>, vector<16xi32>,
      %add3A_90 = arith.constant 0 : i32
      %add3A_91 = arith.addi %add3A_90, %mul3A_42 : i32
      %add3A_92 = arith.constant 128 : i32
      %add3A_93 = arith.addi %add3A_91, %add3A_92 : i32
      %get3A_94 = arith.index_cast %add3A_93 : i32 to index
      %get3A_95 = tpu.vector_load %arg6[%get3A_94] {strides = array<i32>} : memref<16384xi32, #tpu.memory_space<vmem>>, vector<16xi32>,
      %add3A_96 = arith.constant 0 : i32
      %add3A_97 = arith.addi %add3A_96, %mul3A_42 : i32
      %add3A_98 = arith.constant 144 : i32
      %add3A_99 = arith.addi %add3A_97, %add3A_98 : i32
      %get3A_100 = arith.index_cast %add3A_99 : i32 to index
      %get3A_101 = tpu.vector_load %arg6[%get3A_100] {strides = array<i32>} : memref<16384xi32, #tpu.memory_space<vmem>>, vector<16xi32>,
      %add3A_102 = arith.constant 0 : i32
      %add3A_103 = arith.addi %add3A_102, %mul3A_42 : i32
      %add3A_104 = arith.constant 160 : i32
      %add3A_105 = arith.addi %add3A_103, %add3A_104 : i32
      %get3A_106 = arith.index_cast %add3A_105 : i32 to index
      %get3A_107 = tpu.vector_load %arg6[%get3A_106] {strides = array<i32>} : memref<16384xi32, #tpu.memory_space<vmem>>, vector<16xi32>,
      %add3A_108 = arith.constant 0 : i32
      %add3A_109 = arith.addi %add3A_108, %mul3A_42 : i32
      %add3A_110 = arith.constant 176 : i32
      %add3A_111 = arith.addi %add3A_109, %add3A_110 : i32
      %get3A_112 = arith.index_cast %add3A_111 : i32 to index
      %get3A_113 = tpu.vector_load %arg6[%get3A_112] {strides = array<i32>} : memref<16384xi32, #tpu.memory_space<vmem>>, vector<16xi32>,
      %add3A_114 = arith.constant 0 : i32
      %add3A_115 = arith.addi %add3A_114, %mul3A_42 : i32
      %add3A_116 = arith.constant 192 : i32
      %add3A_117 = arith.addi %add3A_115, %add3A_116 : i32
      %get3A_118 = arith.index_cast %add3A_117 : i32 to index
      %get3A_119 = tpu.vector_load %arg6[%get3A_118] {strides = array<i32>} : memref<16384xi32, #tpu.memory_space<vmem>>, vector<16xi32>,
      %add3A_120 = arith.constant 0 : i32
      %add3A_121 = arith.addi %add3A_120, %mul3A_42 : i32
      %add3A_122 = arith.constant 208 : i32
      %add3A_123 = arith.addi %add3A_121, %add3A_122 : i32
      %get3A_124 = arith.index_cast %add3A_123 : i32 to index
      %get3A_125 = tpu.vector_load %arg6[%get3A_124] {strides = array<i32>} : memref<16384xi32, #tpu.memory_space<vmem>>, vector<16xi32>,
      %add3A_126 = arith.constant 0 : i32
      %add3A_127 = arith.addi %add3A_126, %mul3A_42 : i32
      %add3A_128 = arith.constant 224 : i32
      %add3A_129 = arith.addi %add3A_127, %add3A_128 : i32
      %get3A_130 = arith.index_cast %add3A_129 : i32 to index
      %get3A_131 = tpu.vector_load %arg6[%get3A_130] {strides = array<i32>} : memref<16384xi32, #tpu.memory_space<vmem>>, vector<16xi32>,
      %add3A_132 = arith.constant 0 : i32
      %add3A_133 = arith.addi %add3A_132, %mul3A_42 : i32
      %add3A_134 = arith.constant 240 : i32
      %add3A_135 = arith.addi %add3A_133, %add3A_134 : i32
      %get3A_136 = arith.index_cast %add3A_135 : i32 to index
      %get3A_137 = tpu.vector_load %arg6[%get3A_136] {strides = array<i32>} : memref<16384xi32, #tpu.memory_space<vmem>>, vector<16xi32>,
      %gather3A = tpu.vector_load_idx %arg5[%get3A_47] : memref<100000xf32, #tpu.memory_space<vmem>>[vector<16xi32>], vector<16xf32>,
      %gather3A_138 = tpu.vector_load_idx %arg5[%get3A_53] : memref<100000xf32, #tpu.memory_space<vmem>>[vector<16xi32>], vector<16xf32>,
      %gather3A_139 = tpu.vector_load_idx %arg5[%get3A_59] : memref<100000xf32, #tpu.memory_space<vmem>>[vector<16xi32>], vector<16xf32>,
      %gather3A_140 = tpu.vector_load_idx %arg5[%get3A_65] : memref<100000xf32, #tpu.memory_space<vmem>>[vector<16xi32>], vector<16xf32>,
      %gather3A_141 = tpu.vector_load_idx %arg5[%get3A_71] : memref<100000xf32, #tpu.memory_space<vmem>>[vector<16xi32>], vector<16xf32>,
      %gather3A_142 = tpu.vector_load_idx %arg5[%get3A_77] : memref<100000xf32, #tpu.memory_space<vmem>>[vector<16xi32>], vector<16xf32>,
      %gather3A_143 = tpu.vector_load_idx %arg5[%get3A_83] : memref<100000xf32, #tpu.memory_space<vmem>>[vector<16xi32>], vector<16xf32>,
      %gather3A_144 = tpu.vector_load_idx %arg5[%get3A_89] : memref<100000xf32, #tpu.memory_space<vmem>>[vector<16xi32>], vector<16xf32>,
      %gather3A_145 = tpu.vector_load_idx %arg5[%get3A_95] : memref<100000xf32, #tpu.memory_space<vmem>>[vector<16xi32>], vector<16xf32>,
      %gather3A_146 = tpu.vector_load_idx %arg5[%get3A_101] : memref<100000xf32, #tpu.memory_space<vmem>>[vector<16xi32>], vector<16xf32>,
      %gather3A_147 = tpu.vector_load_idx %arg5[%get3A_107] : memref<100000xf32, #tpu.memory_space<vmem>>[vector<16xi32>], vector<16xf32>,
      %gather3A_148 = tpu.vector_load_idx %arg5[%get3A_113] : memref<100000xf32, #tpu.memory_space<vmem>>[vector<16xi32>], vector<16xf32>,
      %gather3A_149 = tpu.vector_load_idx %arg5[%get3A_119] : memref<100000xf32, #tpu.memory_space<vmem>>[vector<16xi32>], vector<16xf32>,
      %gather3A_150 = tpu.vector_load_idx %arg5[%get3A_125] : memref<100000xf32, #tpu.memory_space<vmem>>[vector<16xi32>], vector<16xf32>,
      %gather3A_151 = tpu.vector_load_idx %arg5[%get3A_131] : memref<100000xf32, #tpu.memory_space<vmem>>[vector<16xi32>], vector<16xf32>,
      %gather3A_152 = tpu.vector_load_idx %arg5[%get3A_137] : memref<100000xf32, #tpu.memory_space<vmem>>[vector<16xi32>], vector<16xf32>,
      %add3A_153 = arith.constant 0 : i32
      %add3A_154 = arith.addi %mul3A_42, %add3A_153 : i32
      %swap3A = arith.index_cast %add3A_154 : i32 to index
      %swap3A_155 = tpu.vector_load %arg7[%swap3A] {strides = array<i32>} : memref<8192xf32, #tpu.memory_space<vmem>>, vector<16xf32>,
      tpu.vector_store %arg7[%swap3A], %gather3A {strides = array<i32>} : memref<8192xf32, #tpu.memory_space<vmem>>, vector<16xf32>,
      %add3A_156 = arith.constant 16 : i32
      %add3A_157 = arith.addi %mul3A_42, %add3A_156 : i32
      %swap3A_158 = arith.index_cast %add3A_157 : i32 to index
      %swap3A_159 = tpu.vector_load %arg7[%swap3A_158] {strides = array<i32>} : memref<8192xf32, #tpu.memory_space<vmem>>, vector<16xf32>,
      tpu.vector_store %arg7[%swap3A_158], %gather3A_138 {strides = array<i32>} : memref<8192xf32, #tpu.memory_space<vmem>>, vector<16xf32>,
      %add3A_160 = arith.constant 32 : i32
      %add3A_161 = arith.addi %mul3A_42, %add3A_160 : i32
      %swap3A_162 = arith.index_cast %add3A_161 : i32 to index
      %swap3A_163 = tpu.vector_load %arg7[%swap3A_162] {strides = array<i32>} : memref<8192xf32, #tpu.memory_space<vmem>>, vector<16xf32>,
      tpu.vector_store %arg7[%swap3A_162], %gather3A_139 {strides = array<i32>} : memref<8192xf32, #tpu.memory_space<vmem>>, vector<16xf32>,
      %add3A_164 = arith.constant 48 : i32
      %add3A_165 = arith.addi %mul3A_42, %add3A_164 : i32
      %swap3A_166 = arith.index_cast %add3A_165 : i32 to index
      %swap3A_167 = tpu.vector_load %arg7[%swap3A_166] {strides = array<i32>} : memref<8192xf32, #tpu.memory_space<vmem>>, vector<16xf32>,
      tpu.vector_store %arg7[%swap3A_166], %gather3A_140 {strides = array<i32>} : memref<8192xf32, #tpu.memory_space<vmem>>, vector<16xf32>,
      %add3A_168 = arith.constant 64 : i32
      %add3A_169 = arith.addi %mul3A_42, %add3A_168 : i32
      %swap3A_170 = arith.index_cast %add3A_169 : i32 to index
      %swap3A_171 = tpu.vector_load %arg7[%swap3A_170] {strides = array<i32>} : memref<8192xf32, #tpu.memory_space<vmem>>, vector<16xf32>,
      tpu.vector_store %arg7[%swap3A_170], %gather3A_141 {strides = array<i32>} : memref<8192xf32, #tpu.memory_space<vmem>>, vector<16xf32>,
      %add3A_172 = arith.constant 80 : i32
      %add3A_173 = arith.addi %mul3A_42, %add3A_172 : i32
      %swap3A_174 = arith.index_cast %add3A_173 : i32 to index
      %swap3A_175 = tpu.vector_load %arg7[%swap3A_174] {strides = array<i32>} : memref<8192xf32, #tpu.memory_space<vmem>>, vector<16xf32>,
      tpu.vector_store %arg7[%swap3A_174], %gather3A_142 {strides = array<i32>} : memref<8192xf32, #tpu.memory_space<vmem>>, vector<16xf32>,
      %add3A_176 = arith.constant 96 : i32
      %add3A_177 = arith.addi %mul3A_42, %add3A_176 : i32
      %swap3A_178 = arith.index_cast %add3A_177 : i32 to index
      %swap3A_179 = tpu.vector_load %arg7[%swap3A_178] {strides = array<i32>} : memref<8192xf32, #tpu.memory_space<vmem>>, vector<16xf32>,
      tpu.vector_store %arg7[%swap3A_178], %gather3A_143 {strides = array<i32>} : memref<8192xf32, #tpu.memory_space<vmem>>, vector<16xf32>,
      %add3A_180 = arith.constant 112 : i32
      %add3A_181 = arith.addi %mul3A_42, %add3A_180 : i32
      %swap3A_182 = arith.index_cast %add3A_181 : i32 to index
      %swap3A_183 = tpu.vector_load %arg7[%swap3A_182] {strides = array<i32>} : memref<8192xf32, #tpu.memory_space<vmem>>, vector<16xf32>,
      tpu.vector_store %arg7[%swap3A_182], %gather3A_144 {strides = array<i32>} : memref<8192xf32, #tpu.memory_space<vmem>>, vector<16xf32>,
      %add3A_184 = arith.constant 128 : i32
      %add3A_185 = arith.addi %mul3A_42, %add3A_184 : i32
      %swap3A_186 = arith.index_cast %add3A_185 : i32 to index
      %swap3A_187 = tpu.vector_load %arg7[%swap3A_186] {strides = array<i32>} : memref<8192xf32, #tpu.memory_space<vmem>>, vector<16xf32>,
      tpu.vector_store %arg7[%swap3A_186], %gather3A_145 {strides = array<i32>} : memref<8192xf32, #tpu.memory_space<vmem>>, vector<16xf32>,
      %add3A_188 = arith.constant 144 : i32
      %add3A_189 = arith.addi %mul3A_42, %add3A_188 : i32
      %swap3A_190 = arith.index_cast %add3A_189 : i32 to index
      %swap3A_191 = tpu.vector_load %arg7[%swap3A_190] {strides = array<i32>} : memref<8192xf32, #tpu.memory_space<vmem>>, vector<16xf32>,
      tpu.vector_store %arg7[%swap3A_190], %gather3A_146 {strides = array<i32>} : memref<8192xf32, #tpu.memory_space<vmem>>, vector<16xf32>,
      %add3A_192 = arith.constant 160 : i32
      %add3A_193 = arith.addi %mul3A_42, %add3A_192 : i32
      %swap3A_194 = arith.index_cast %add3A_193 : i32 to index
      %swap3A_195 = tpu.vector_load %arg7[%swap3A_194] {strides = array<i32>} : memref<8192xf32, #tpu.memory_space<vmem>>, vector<16xf32>,
      tpu.vector_store %arg7[%swap3A_194], %gather3A_147 {strides = array<i32>} : memref<8192xf32, #tpu.memory_space<vmem>>, vector<16xf32>,
      %add3A_196 = arith.constant 176 : i32
      %add3A_197 = arith.addi %mul3A_42, %add3A_196 : i32
      %swap3A_198 = arith.index_cast %add3A_197 : i32 to index
      %swap3A_199 = tpu.vector_load %arg7[%swap3A_198] {strides = array<i32>} : memref<8192xf32, #tpu.memory_space<vmem>>, vector<16xf32>,
      tpu.vector_store %arg7[%swap3A_198], %gather3A_148 {strides = array<i32>} : memref<8192xf32, #tpu.memory_space<vmem>>, vector<16xf32>,
      %add3A_200 = arith.constant 192 : i32
      %add3A_201 = arith.addi %mul3A_42, %add3A_200 : i32
      %swap3A_202 = arith.index_cast %add3A_201 : i32 to index
      %swap3A_203 = tpu.vector_load %arg7[%swap3A_202] {strides = array<i32>} : memref<8192xf32, #tpu.memory_space<vmem>>, vector<16xf32>,
      tpu.vector_store %arg7[%swap3A_202], %gather3A_149 {strides = array<i32>} : memref<8192xf32, #tpu.memory_space<vmem>>, vector<16xf32>,
      %add3A_204 = arith.constant 208 : i32
      %add3A_205 = arith.addi %mul3A_42, %add3A_204 : i32
      %swap3A_206 = arith.index_cast %add3A_205 : i32 to index
      %swap3A_207 = tpu.vector_load %arg7[%swap3A_206] {strides = array<i32>} : memref<8192xf32, #tpu.memory_space<vmem>>, vector<16xf32>,
      tpu.vector_store %arg7[%swap3A_206], %gather3A_150 {strides = array<i32>} : memref<8192xf32, #tpu.memory_space<vmem>>, vector<16xf32>,
      %add3A_208 = arith.constant 224 : i32
      %add3A_209 = arith.addi %mul3A_42, %add3A_208 : i32
      %swap3A_210 = arith.index_cast %add3A_209 : i32 to index
      %swap3A_211 = tpu.vector_load %arg7[%swap3A_210] {strides = array<i32>} : memref<8192xf32, #tpu.memory_space<vmem>>, vector<16xf32>,
      tpu.vector_store %arg7[%swap3A_210], %gather3A_151 {strides = array<i32>} : memref<8192xf32, #tpu.memory_space<vmem>>, vector<16xf32>,
      %add3A_212 = arith.constant 240 : i32
      %add3A_213 = arith.addi %mul3A_42, %add3A_212 : i32
      %swap3A_214 = arith.index_cast %add3A_213 : i32 to index
      %swap3A_215 = tpu.vector_load %arg7[%swap3A_214] {strides = array<i32>} : memref<8192xf32, #tpu.memory_space<vmem>>, vector<16xf32>,
      tpu.vector_store %arg7[%swap3A_214], %gather3A_152 {strides = array<i32>} : memref<8192xf32, #tpu.memory_space<vmem>>, vector<16xf32>,
    }
    %scan3A_34 = arith.constant 32 : i32
    "tpu.region"() ({
      %run_scoped3A = tpu.sem_alloc : memref<!tpu.dma_semaphore, #tpu.memory_space<semaphore_mem>>
      %dma_start3A_40 = arith.constant 0 : i32
      %dma_start3A_41 = tpu.memref_slice %arg4[%add3A_29, %dma_start3A_40] : memref<64x16384xf32, #tpu.memory_space<hbm>> -> memref<1x8192xf32, #tpu.memory_space<hbm>>
      %dma_start3A_42 = tpu.memref_squeeze %dma_start3A_41 : memref<1x8192xf32, #tpu.memory_space<hbm>> -> memref<8192xf32, #tpu.memory_space<hbm>>
      %dma_start3A_43 = arith.constant 0 : i32
      %dma_start3A_44 = tpu.memref_slice %arg4[%add3A_29, %dma_start3A_43] : memref<64x16384xf32, #tpu.memory_space<hbm>> -> memref<1x8192xf32, #tpu.memory_space<hbm>>
      %dma_start3A_45 = tpu.memref_squeeze %dma_start3A_44 : memref<1x8192xf32, #tpu.memory_space<hbm>> -> memref<8192xf32, #tpu.memory_space<hbm>>
      tpu.enqueue_dma source(%arg7 : memref<8192xf32, #tpu.memory_space<vmem>>) target(%dma_start3A_45 : memref<8192xf32, #tpu.memory_space<hbm>>) target_semaphore(%run_scoped3A : memref<!tpu.dma_semaphore, #tpu.memory_space<semaphore_mem>>)
      %dma_wait3A_46 = arith.constant 0 : i32
      %dma_wait3A_47 = tpu.memref_slice %arg4[%add3A_29, %dma_wait3A_46] : memref<64x16384xf32, #tpu.memory_space<hbm>> -> memref<1x8192xf32, #tpu.memory_space<hbm>>
      %dma_wait3A_48 = tpu.memref_squeeze %dma_wait3A_47 : memref<1x8192xf32, #tpu.memory_space<hbm>> -> memref<8192xf32, #tpu.memory_space<hbm>>
      %dma_wait3A_49 = arith.constant 0 : i32
      %dma_wait3A_50 = tpu.memref_slice %arg4[%add3A_29, %dma_wait3A_49] : memref<64x16384xf32, #tpu.memory_space<hbm>> -> memref<1x8192xf32, #tpu.memory_space<hbm>>
      %dma_wait3A_51 = tpu.memref_squeeze %dma_wait3A_50 : memref<1x8192xf32, #tpu.memory_space<hbm>> -> memref<8192xf32, #tpu.memory_space<hbm>>
      tpu.wait_dma2 semaphore(%run_scoped3A : memref<!tpu.dma_semaphore, #tpu.memory_space<semaphore_mem>>) src(%arg7 : memref<8192xf32, #tpu.memory_space<vmem>>) dst(%dma_wait3A_51 : memref<8192xf32, #tpu.memory_space<hbm>>)
      tpu.yield
    }) : () -> ()
    %scan3A_35 = arith.constant 0 : i32
    %scan3A_36 = arith.constant 32 : i32
    %scan3A_37 = arith.addi %scan3A_35, %scan3A_36 : i32
    %scan3A_38 = arith.constant 1 : i32
    scf.for %scan3A_40 = %scan3A_35 to %scan3A_37 step %scan3A_38  : i32 {
      %mul3A_41 = arith.constant 256 : i32
      %mul3A_42 = arith.muli %scan3A_40, %mul3A_41 : i32
      %add3A_43 = arith.constant 8192 : i32
      %add3A_44 = arith.addi %add3A_43, %mul3A_42 : i32
      %add3A_45 = arith.constant 0 : i32
      %add3A_46 = arith.addi %add3A_44, %add3A_45 : i32
      %get3A = arith.index_cast %add3A_46 : i32 to index
      %get3A_47 = tpu.vector_load %arg6[%get3A] {strides = array<i32>} : memref<16384xi32, #tpu.memory_space<vmem>>, vector<16xi32>,
      %add3A_48 = arith.constant 8192 : i32
      %add3A_49 = arith.addi %add3A_48, %mul3A_42 : i32
      %add3A_50 = arith.constant 16 : i32
      %add3A_51 = arith.addi %add3A_49, %add3A_50 : i32
      %get3A_52 = arith.index_cast %add3A_51 : i32 to index
      %get3A_53 = tpu.vector_load %arg6[%get3A_52] {strides = array<i32>} : memref<16384xi32, #tpu.memory_space<vmem>>, vector<16xi32>,
      %add3A_54 = arith.constant 8192 : i32
      %add3A_55 = arith.addi %add3A_54, %mul3A_42 : i32
      %add3A_56 = arith.constant 32 : i32
      %add3A_57 = arith.addi %add3A_55, %add3A_56 : i32
      %get3A_58 = arith.index_cast %add3A_57 : i32 to index
      %get3A_59 = tpu.vector_load %arg6[%get3A_58] {strides = array<i32>} : memref<16384xi32, #tpu.memory_space<vmem>>, vector<16xi32>,
      %add3A_60 = arith.constant 8192 : i32
      %add3A_61 = arith.addi %add3A_60, %mul3A_42 : i32
      %add3A_62 = arith.constant 48 : i32
      %add3A_63 = arith.addi %add3A_61, %add3A_62 : i32
      %get3A_64 = arith.index_cast %add3A_63 : i32 to index
      %get3A_65 = tpu.vector_load %arg6[%get3A_64] {strides = array<i32>} : memref<16384xi32, #tpu.memory_space<vmem>>, vector<16xi32>,
      %add3A_66 = arith.constant 8192 : i32
      %add3A_67 = arith.addi %add3A_66, %mul3A_42 : i32
      %add3A_68 = arith.constant 64 : i32
      %add3A_69 = arith.addi %add3A_67, %add3A_68 : i32
      %get3A_70 = arith.index_cast %add3A_69 : i32 to index
      %get3A_71 = tpu.vector_load %arg6[%get3A_70] {strides = array<i32>} : memref<16384xi32, #tpu.memory_space<vmem>>, vector<16xi32>,
      %add3A_72 = arith.constant 8192 : i32
      %add3A_73 = arith.addi %add3A_72, %mul3A_42 : i32
      %add3A_74 = arith.constant 80 : i32
      %add3A_75 = arith.addi %add3A_73, %add3A_74 : i32
      %get3A_76 = arith.index_cast %add3A_75 : i32 to index
      %get3A_77 = tpu.vector_load %arg6[%get3A_76] {strides = array<i32>} : memref<16384xi32, #tpu.memory_space<vmem>>, vector<16xi32>,
      %add3A_78 = arith.constant 8192 : i32
      %add3A_79 = arith.addi %add3A_78, %mul3A_42 : i32
      %add3A_80 = arith.constant 96 : i32
      %add3A_81 = arith.addi %add3A_79, %add3A_80 : i32
      %get3A_82 = arith.index_cast %add3A_81 : i32 to index
      %get3A_83 = tpu.vector_load %arg6[%get3A_82] {strides = array<i32>} : memref<16384xi32, #tpu.memory_space<vmem>>, vector<16xi32>,
      %add3A_84 = arith.constant 8192 : i32
      %add3A_85 = arith.addi %add3A_84, %mul3A_42 : i32
      %add3A_86 = arith.constant 112 : i32
      %add3A_87 = arith.addi %add3A_85, %add3A_86 : i32
      %get3A_88 = arith.index_cast %add3A_87 : i32 to index
      %get3A_89 = tpu.vector_load %arg6[%get3A_88] {strides = array<i32>} : memref<16384xi32, #tpu.memory_space<vmem>>, vector<16xi32>,
      %add3A_90 = arith.constant 8192 : i32
      %add3A_91 = arith.addi %add3A_90, %mul3A_42 : i32
      %add3A_92 = arith.constant 128 : i32
      %add3A_93 = arith.addi %add3A_91, %add3A_92 : i32
      %get3A_94 = arith.index_cast %add3A_93 : i32 to index
      %get3A_95 = tpu.vector_load %arg6[%get3A_94] {strides = array<i32>} : memref<16384xi32, #tpu.memory_space<vmem>>, vector<16xi32>,
      %add3A_96 = arith.constant 8192 : i32
      %add3A_97 = arith.addi %add3A_96, %mul3A_42 : i32
      %add3A_98 = arith.constant 144 : i32
      %add3A_99 = arith.addi %add3A_97, %add3A_98 : i32
      %get3A_100 = arith.index_cast %add3A_99 : i32 to index
      %get3A_101 = tpu.vector_load %arg6[%get3A_100] {strides = array<i32>} : memref<16384xi32, #tpu.memory_space<vmem>>, vector<16xi32>,
      %add3A_102 = arith.constant 8192 : i32
      %add3A_103 = arith.addi %add3A_102, %mul3A_42 : i32
      %add3A_104 = arith.constant 160 : i32
      %add3A_105 = arith.addi %add3A_103, %add3A_104 : i32
      %get3A_106 = arith.index_cast %add3A_105 : i32 to index
      %get3A_107 = tpu.vector_load %arg6[%get3A_106] {strides = array<i32>} : memref<16384xi32, #tpu.memory_space<vmem>>, vector<16xi32>,
      %add3A_108 = arith.constant 8192 : i32
      %add3A_109 = arith.addi %add3A_108, %mul3A_42 : i32
      %add3A_110 = arith.constant 176 : i32
      %add3A_111 = arith.addi %add3A_109, %add3A_110 : i32
      %get3A_112 = arith.index_cast %add3A_111 : i32 to index
      %get3A_113 = tpu.vector_load %arg6[%get3A_112] {strides = array<i32>} : memref<16384xi32, #tpu.memory_space<vmem>>, vector<16xi32>,
      %add3A_114 = arith.constant 8192 : i32
      %add3A_115 = arith.addi %add3A_114, %mul3A_42 : i32
      %add3A_116 = arith.constant 192 : i32
      %add3A_117 = arith.addi %add3A_115, %add3A_116 : i32
      %get3A_118 = arith.index_cast %add3A_117 : i32 to index
      %get3A_119 = tpu.vector_load %arg6[%get3A_118] {strides = array<i32>} : memref<16384xi32, #tpu.memory_space<vmem>>, vector<16xi32>,
      %add3A_120 = arith.constant 8192 : i32
      %add3A_121 = arith.addi %add3A_120, %mul3A_42 : i32
      %add3A_122 = arith.constant 208 : i32
      %add3A_123 = arith.addi %add3A_121, %add3A_122 : i32
      %get3A_124 = arith.index_cast %add3A_123 : i32 to index
      %get3A_125 = tpu.vector_load %arg6[%get3A_124] {strides = array<i32>} : memref<16384xi32, #tpu.memory_space<vmem>>, vector<16xi32>,
      %add3A_126 = arith.constant 8192 : i32
      %add3A_127 = arith.addi %add3A_126, %mul3A_42 : i32
      %add3A_128 = arith.constant 224 : i32
      %add3A_129 = arith.addi %add3A_127, %add3A_128 : i32
      %get3A_130 = arith.index_cast %add3A_129 : i32 to index
      %get3A_131 = tpu.vector_load %arg6[%get3A_130] {strides = array<i32>} : memref<16384xi32, #tpu.memory_space<vmem>>, vector<16xi32>,
      %add3A_132 = arith.constant 8192 : i32
      %add3A_133 = arith.addi %add3A_132, %mul3A_42 : i32
      %add3A_134 = arith.constant 240 : i32
      %add3A_135 = arith.addi %add3A_133, %add3A_134 : i32
      %get3A_136 = arith.index_cast %add3A_135 : i32 to index
      %get3A_137 = tpu.vector_load %arg6[%get3A_136] {strides = array<i32>} : memref<16384xi32, #tpu.memory_space<vmem>>, vector<16xi32>,
      %gather3A = tpu.vector_load_idx %arg5[%get3A_47] : memref<100000xf32, #tpu.memory_space<vmem>>[vector<16xi32>], vector<16xf32>,
      %gather3A_138 = tpu.vector_load_idx %arg5[%get3A_53] : memref<100000xf32, #tpu.memory_space<vmem>>[vector<16xi32>], vector<16xf32>,
      %gather3A_139 = tpu.vector_load_idx %arg5[%get3A_59] : memref<100000xf32, #tpu.memory_space<vmem>>[vector<16xi32>], vector<16xf32>,
      %gather3A_140 = tpu.vector_load_idx %arg5[%get3A_65] : memref<100000xf32, #tpu.memory_space<vmem>>[vector<16xi32>], vector<16xf32>,
      %gather3A_141 = tpu.vector_load_idx %arg5[%get3A_71] : memref<100000xf32, #tpu.memory_space<vmem>>[vector<16xi32>], vector<16xf32>,
      %gather3A_142 = tpu.vector_load_idx %arg5[%get3A_77] : memref<100000xf32, #tpu.memory_space<vmem>>[vector<16xi32>], vector<16xf32>,
      %gather3A_143 = tpu.vector_load_idx %arg5[%get3A_83] : memref<100000xf32, #tpu.memory_space<vmem>>[vector<16xi32>], vector<16xf32>,
      %gather3A_144 = tpu.vector_load_idx %arg5[%get3A_89] : memref<100000xf32, #tpu.memory_space<vmem>>[vector<16xi32>], vector<16xf32>,
      %gather3A_145 = tpu.vector_load_idx %arg5[%get3A_95] : memref<100000xf32, #tpu.memory_space<vmem>>[vector<16xi32>], vector<16xf32>,
      %gather3A_146 = tpu.vector_load_idx %arg5[%get3A_101] : memref<100000xf32, #tpu.memory_space<vmem>>[vector<16xi32>], vector<16xf32>,
      %gather3A_147 = tpu.vector_load_idx %arg5[%get3A_107] : memref<100000xf32, #tpu.memory_space<vmem>>[vector<16xi32>], vector<16xf32>,
      %gather3A_148 = tpu.vector_load_idx %arg5[%get3A_113] : memref<100000xf32, #tpu.memory_space<vmem>>[vector<16xi32>], vector<16xf32>,
      %gather3A_149 = tpu.vector_load_idx %arg5[%get3A_119] : memref<100000xf32, #tpu.memory_space<vmem>>[vector<16xi32>], vector<16xf32>,
      %gather3A_150 = tpu.vector_load_idx %arg5[%get3A_125] : memref<100000xf32, #tpu.memory_space<vmem>>[vector<16xi32>], vector<16xf32>,
      %gather3A_151 = tpu.vector_load_idx %arg5[%get3A_131] : memref<100000xf32, #tpu.memory_space<vmem>>[vector<16xi32>], vector<16xf32>,
      %gather3A_152 = tpu.vector_load_idx %arg5[%get3A_137] : memref<100000xf32, #tpu.memory_space<vmem>>[vector<16xi32>], vector<16xf32>,
      %add3A_153 = arith.constant 0 : i32
      %add3A_154 = arith.addi %mul3A_42, %add3A_153 : i32
      %swap3A = arith.index_cast %add3A_154 : i32 to index
      %swap3A_155 = tpu.vector_load %arg7[%swap3A] {strides = array<i32>} : memref<8192xf32, #tpu.memory_space<vmem>>, vector<16xf32>,
      tpu.vector_store %arg7[%swap3A], %gather3A {strides = array<i32>} : memref<8192xf32, #tpu.memory_space<vmem>>, vector<16xf32>,
      %add3A_156 = arith.constant 16 : i32
      %add3A_157 = arith.addi %mul3A_42, %add3A_156 : i32
      %swap3A_158 = arith.index_cast %add3A_157 : i32 to index
      %swap3A_159 = tpu.vector_load %arg7[%swap3A_158] {strides = array<i32>} : memref<8192xf32, #tpu.memory_space<vmem>>, vector<16xf32>,
      tpu.vector_store %arg7[%swap3A_158], %gather3A_138 {strides = array<i32>} : memref<8192xf32, #tpu.memory_space<vmem>>, vector<16xf32>,
      %add3A_160 = arith.constant 32 : i32
      %add3A_161 = arith.addi %mul3A_42, %add3A_160 : i32
      %swap3A_162 = arith.index_cast %add3A_161 : i32 to index
      %swap3A_163 = tpu.vector_load %arg7[%swap3A_162] {strides = array<i32>} : memref<8192xf32, #tpu.memory_space<vmem>>, vector<16xf32>,
      tpu.vector_store %arg7[%swap3A_162], %gather3A_139 {strides = array<i32>} : memref<8192xf32, #tpu.memory_space<vmem>>, vector<16xf32>,
      %add3A_164 = arith.constant 48 : i32
      %add3A_165 = arith.addi %mul3A_42, %add3A_164 : i32
      %swap3A_166 = arith.index_cast %add3A_165 : i32 to index
      %swap3A_167 = tpu.vector_load %arg7[%swap3A_166] {strides = array<i32>} : memref<8192xf32, #tpu.memory_space<vmem>>, vector<16xf32>,
      tpu.vector_store %arg7[%swap3A_166], %gather3A_140 {strides = array<i32>} : memref<8192xf32, #tpu.memory_space<vmem>>, vector<16xf32>,
      %add3A_168 = arith.constant 64 : i32
      %add3A_169 = arith.addi %mul3A_42, %add3A_168 : i32
      %swap3A_170 = arith.index_cast %add3A_169 : i32 to index
      %swap3A_171 = tpu.vector_load %arg7[%swap3A_170] {strides = array<i32>} : memref<8192xf32, #tpu.memory_space<vmem>>, vector<16xf32>,
      tpu.vector_store %arg7[%swap3A_170], %gather3A_141 {strides = array<i32>} : memref<8192xf32, #tpu.memory_space<vmem>>, vector<16xf32>,
      %add3A_172 = arith.constant 80 : i32
      %add3A_173 = arith.addi %mul3A_42, %add3A_172 : i32
      %swap3A_174 = arith.index_cast %add3A_173 : i32 to index
      %swap3A_175 = tpu.vector_load %arg7[%swap3A_174] {strides = array<i32>} : memref<8192xf32, #tpu.memory_space<vmem>>, vector<16xf32>,
      tpu.vector_store %arg7[%swap3A_174], %gather3A_142 {strides = array<i32>} : memref<8192xf32, #tpu.memory_space<vmem>>, vector<16xf32>,
      %add3A_176 = arith.constant 96 : i32
      %add3A_177 = arith.addi %mul3A_42, %add3A_176 : i32
      %swap3A_178 = arith.index_cast %add3A_177 : i32 to index
      %swap3A_179 = tpu.vector_load %arg7[%swap3A_178] {strides = array<i32>} : memref<8192xf32, #tpu.memory_space<vmem>>, vector<16xf32>,
      tpu.vector_store %arg7[%swap3A_178], %gather3A_143 {strides = array<i32>} : memref<8192xf32, #tpu.memory_space<vmem>>, vector<16xf32>,
      %add3A_180 = arith.constant 112 : i32
      %add3A_181 = arith.addi %mul3A_42, %add3A_180 : i32
      %swap3A_182 = arith.index_cast %add3A_181 : i32 to index
      %swap3A_183 = tpu.vector_load %arg7[%swap3A_182] {strides = array<i32>} : memref<8192xf32, #tpu.memory_space<vmem>>, vector<16xf32>,
      tpu.vector_store %arg7[%swap3A_182], %gather3A_144 {strides = array<i32>} : memref<8192xf32, #tpu.memory_space<vmem>>, vector<16xf32>,
      %add3A_184 = arith.constant 128 : i32
      %add3A_185 = arith.addi %mul3A_42, %add3A_184 : i32
      %swap3A_186 = arith.index_cast %add3A_185 : i32 to index
      %swap3A_187 = tpu.vector_load %arg7[%swap3A_186] {strides = array<i32>} : memref<8192xf32, #tpu.memory_space<vmem>>, vector<16xf32>,
      tpu.vector_store %arg7[%swap3A_186], %gather3A_145 {strides = array<i32>} : memref<8192xf32, #tpu.memory_space<vmem>>, vector<16xf32>,
      %add3A_188 = arith.constant 144 : i32
      %add3A_189 = arith.addi %mul3A_42, %add3A_188 : i32
      %swap3A_190 = arith.index_cast %add3A_189 : i32 to index
      %swap3A_191 = tpu.vector_load %arg7[%swap3A_190] {strides = array<i32>} : memref<8192xf32, #tpu.memory_space<vmem>>, vector<16xf32>,
      tpu.vector_store %arg7[%swap3A_190], %gather3A_146 {strides = array<i32>} : memref<8192xf32, #tpu.memory_space<vmem>>, vector<16xf32>,
      %add3A_192 = arith.constant 160 : i32
      %add3A_193 = arith.addi %mul3A_42, %add3A_192 : i32
      %swap3A_194 = arith.index_cast %add3A_193 : i32 to index
      %swap3A_195 = tpu.vector_load %arg7[%swap3A_194] {strides = array<i32>} : memref<8192xf32, #tpu.memory_space<vmem>>, vector<16xf32>,
      tpu.vector_store %arg7[%swap3A_194], %gather3A_147 {strides = array<i32>} : memref<8192xf32, #tpu.memory_space<vmem>>, vector<16xf32>,
      %add3A_196 = arith.constant 176 : i32
      %add3A_197 = arith.addi %mul3A_42, %add3A_196 : i32
      %swap3A_198 = arith.index_cast %add3A_197 : i32 to index
      %swap3A_199 = tpu.vector_load %arg7[%swap3A_198] {strides = array<i32>} : memref<8192xf32, #tpu.memory_space<vmem>>, vector<16xf32>,
      tpu.vector_store %arg7[%swap3A_198], %gather3A_148 {strides = array<i32>} : memref<8192xf32, #tpu.memory_space<vmem>>, vector<16xf32>,
      %add3A_200 = arith.constant 192 : i32
      %add3A_201 = arith.addi %mul3A_42, %add3A_200 : i32
      %swap3A_202 = arith.index_cast %add3A_201 : i32 to index
      %swap3A_203 = tpu.vector_load %arg7[%swap3A_202] {strides = array<i32>} : memref<8192xf32, #tpu.memory_space<vmem>>, vector<16xf32>,
      tpu.vector_store %arg7[%swap3A_202], %gather3A_149 {strides = array<i32>} : memref<8192xf32, #tpu.memory_space<vmem>>, vector<16xf32>,
      %add3A_204 = arith.constant 208 : i32
      %add3A_205 = arith.addi %mul3A_42, %add3A_204 : i32
      %swap3A_206 = arith.index_cast %add3A_205 : i32 to index
      %swap3A_207 = tpu.vector_load %arg7[%swap3A_206] {strides = array<i32>} : memref<8192xf32, #tpu.memory_space<vmem>>, vector<16xf32>,
      tpu.vector_store %arg7[%swap3A_206], %gather3A_150 {strides = array<i32>} : memref<8192xf32, #tpu.memory_space<vmem>>, vector<16xf32>,
      %add3A_208 = arith.constant 224 : i32
      %add3A_209 = arith.addi %mul3A_42, %add3A_208 : i32
      %swap3A_210 = arith.index_cast %add3A_209 : i32 to index
      %swap3A_211 = tpu.vector_load %arg7[%swap3A_210] {strides = array<i32>} : memref<8192xf32, #tpu.memory_space<vmem>>, vector<16xf32>,
      tpu.vector_store %arg7[%swap3A_210], %gather3A_151 {strides = array<i32>} : memref<8192xf32, #tpu.memory_space<vmem>>, vector<16xf32>,
      %add3A_212 = arith.constant 240 : i32
      %add3A_213 = arith.addi %mul3A_42, %add3A_212 : i32
      %swap3A_214 = arith.index_cast %add3A_213 : i32 to index
      %swap3A_215 = tpu.vector_load %arg7[%swap3A_214] {strides = array<i32>} : memref<8192xf32, #tpu.memory_space<vmem>>, vector<16xf32>,
      tpu.vector_store %arg7[%swap3A_214], %gather3A_152 {strides = array<i32>} : memref<8192xf32, #tpu.memory_space<vmem>>, vector<16xf32>,
    }
    %scan3A_39 = arith.constant 32 : i32
    "tpu.region"() ({
      %run_scoped3A = tpu.sem_alloc : memref<!tpu.dma_semaphore, #tpu.memory_space<semaphore_mem>>
      %dma_start3A_40 = arith.constant 8192 : i32
      %dma_start3A_41 = tpu.memref_slice %arg4[%add3A_29, %dma_start3A_40] : memref<64x16384xf32, #tpu.memory_space<hbm>> -> memref<1x8192xf32, #tpu.memory_space<hbm>>
      %dma_start3A_42 = tpu.memref_squeeze %dma_start3A_41 : memref<1x8192xf32, #tpu.memory_space<hbm>> -> memref<8192xf32, #tpu.memory_space<hbm>>
      %dma_start3A_43 = arith.constant 8192 : i32
      %dma_start3A_44 = tpu.memref_slice %arg4[%add3A_29, %dma_start3A_43] : memref<64x16384xf32, #tpu.memory_space<hbm>> -> memref<1x8192xf32, #tpu.memory_space<hbm>>
      %dma_start3A_45 = tpu.memref_squeeze %dma_start3A_44 : memref<1x8192xf32, #tpu.memory_space<hbm>> -> memref<8192xf32, #tpu.memory_space<hbm>>
      tpu.enqueue_dma source(%arg7 : memref<8192xf32, #tpu.memory_space<vmem>>) target(%dma_start3A_45 : memref<8192xf32, #tpu.memory_space<hbm>>) target_semaphore(%run_scoped3A : memref<!tpu.dma_semaphore, #tpu.memory_space<semaphore_mem>>)
      %dma_wait3A_46 = arith.constant 8192 : i32
      %dma_wait3A_47 = tpu.memref_slice %arg4[%add3A_29, %dma_wait3A_46] : memref<64x16384xf32, #tpu.memory_space<hbm>> -> memref<1x8192xf32, #tpu.memory_space<hbm>>
      %dma_wait3A_48 = tpu.memref_squeeze %dma_wait3A_47 : memref<1x8192xf32, #tpu.memory_space<hbm>> -> memref<8192xf32, #tpu.memory_space<hbm>>
      %dma_wait3A_49 = arith.constant 8192 : i32
      %dma_wait3A_50 = tpu.memref_slice %arg4[%add3A_29, %dma_wait3A_49] : memref<64x16384xf32, #tpu.memory_space<hbm>> -> memref<1x8192xf32, #tpu.memory_space<hbm>>
      %dma_wait3A_51 = tpu.memref_squeeze %dma_wait3A_50 : memref<1x8192xf32, #tpu.memory_space<hbm>> -> memref<8192xf32, #tpu.memory_space<hbm>>
      tpu.wait_dma2 semaphore(%run_scoped3A : memref<!tpu.dma_semaphore, #tpu.memory_space<semaphore_mem>>) src(%arg7 : memref<8192xf32, #tpu.memory_space<vmem>>) dst(%dma_wait3A_51 : memref<8192xf32, #tpu.memory_space<hbm>>)
      tpu.yield
    }) : () -> ()
    return
  }
}

</mosaic_0001>

<sc_bundles>
// kernel: kernel.3.cloned.1.call-start
scs
__scs_entry_jumppad:
0x0: {  	(pc) =	sbr.rel $0x88, $3  }
0x1: {  	(tag) =	ssettag $0x0;
	lr =	simm.s32 $0x1  }
0x2: {  	[smem:$0x3F9F] =	sst lr;
	_ =	strace $0xD0000000  }
0x3: {  	_ = 	snop  }
0x4: {  	_ = 	snop  }
0x5: {  	_ = 	snop  }
0x6: {  	_ = 	snop  }
0x7: {  	_ = 	snop  }
__scs_overlays_trampoline_lowered:
0x8: {  	[smem:$0x3FAE] =	sst s0  }
0x9: {  	[smem:$0x3FAF] =	sst s1  }
0xa: {  	[smem:$0x3FB0] =	sst s2  }
0xb: {  	[smem:$0x3FB1] =	sst s3  }
0xc: {  	[smem:$0x3FB2] =	sst s4  }
0xd: {  	[smem:$0x3FB3] =	sst s5  }
0xe: {  	[smem:$0x3FB4] =	sst s6  }
0xf: {  	[smem:$0x3FB5] =	sst s7  }
0x10: {  	[smem:$0x3FB6] =	sst s8  }
0x11: {  	[smem:$0x3FB7] =	sst s9;
	s0 =	simm.s32 @!p0 $0x0  }
0x12: {  	s1 =	sld [smem:$0x3F9D];
	s0 =	simm.s32 @p0 $0x1  }
0x13: {  	[smem:$0x3FB8] =	sst s0;
	s0 =	simm.s32 @!p1 $0x0  }
0x14: {  	s2 =	sld [smem:$0x3F9C];
	s0 =	simm.s32 @p1 $0x1  }
0x15: {  	[smem:$0x3FB9] =	sst s0;
	s0 =	simm.s32 @!p2 $0x0  }
0x16: {  	s3 =	sld [smem:$0x3FDB];
	s0 =	simm.s32 @p2 $0x1  }
0x17: {  	s4 =	simm.s32 $0x1BF5;
	[smem:$0x3FBB] =	sst s0  }
0x18: {  	s0 =	sld [smem:$0x3F9E];
	_ =	swait.ge [sflag:s4], $0x0  }
0x19: {  	s7 =	sld [smem:$0x3F9F]  }
0x1a: {  	s8 =	sadd.s32 $0xFFFFE003, lr  }
0x1b: {  	s9 =	sadd.s32 $0xFFFFFEF7, lr;
	s5 =	simm.s32 $0xFFFFFFFF;
	p2 =	slt.u32 s8, $0xFFFFF086  }
0x1c: {  	p1 =	slt.u32 s9, $0xF7A;
	s5 =	simm.s32 @!p2 $0x0  }
0x1d: {  	s5 =	simm.s32 @p1 $0x1;
	p0 =	seq.s32 s7, s2  }
0x1e: {  	s7 =	smul.u32 @!p0 $0xF7A, s2;
	p2 =	seq.s32 @!p0 s5, $0x0  }
0x1f: {  	s9 =	smul.u32 $0xF7A, s1;
	s8 =	simm.s32 @!p0 $0x1BF5;
	p2 =	por !p2, p0  }
0x20: {  	[sflag:s8] =	ssyncset.s32 @!p0 $0xFFFFF086;
	s6 =	sadd.s32 @!p0 s3, s7;
	s7 =	simm.s32 @!p0 $0x108  }
0x21: {  	s3 =	sadd.s32 s3, s9;
	s6 =	sadd.s32 @!p0 $0x88, s6;
	s7 =	simm.s32 @p2 $0x1082  }
0x22: {  	[simem:s7], [sflag:s8] =	dma.local @!p0 [hbm:s6], $0xF7A  }
0x23: {  	s9 =	sor.u32 $0xD0000000, s2;
	s6 =	simm.s32 $0x108;
	_ =	swait.ge @!p0 [sflag:s8], $0x0  }
0x24: {  	s3 =	sadd.s32 $0x88, s3;
	s6 =	simm.s32 @!p1 $0x1082;
	[sflag:s4] =	ssyncset.s32 $0xFFFFF086  }
0x25: {  	[simem:s6], [sflag:s4] =	dma.local [hbm:s3], $0xF7A  }
0x26: {  	[smem:$0x3F9F] =	sst s1;
	(tag) =	ssettag s2;
	_ =	strace s9  }
0x27: {  	s1 =	sld [smem:$0x3FAF]  }
0x28: {  	s2 =	sld [smem:$0x3FB0]  }
0x29: {  	s4 =	sld [smem:$0x3FB2]  }
0x2a: {  	p0 =	seq.s32 s5, $0x0;
	s5 =	sld [smem:$0x3FB3]  }
0x2b: {  	s6 =	sld [smem:$0x3FB4]  }
0x2c: {  	s7 =	sld [smem:$0x3FB5]  }
0x2d: {  	s3 =	simm.s32 $0x108;
	s8 =	sld [smem:$0x3FB6]  }
0x2e: {  	s3 =	simm.s32 @!p0 $0x1082;
	s9 =	sld [smem:$0x3FB7]  }
0x2f: {  	lr =	sadd.s32 s0, s3;
	s0 =	sld [smem:$0x3FAE]  }
0x30: {  	s3 =	sld [smem:$0x3FB1]  }
0x31: {  	[smem:$0x3FBA] =	sst s10  }
0x32: {  	s10 =	sld [smem:$0x3FB8];
	_ =	sdelay $0x3  }
0x33: {  	p0 =	seq.s32 s10, $0x1;
	s10 =	sld [smem:$0x3FBA];
	_ =	sdelay $0x3  }
0x34: {  	[smem:$0x3FBA] =	sst s10  }
0x35: {  	s10 =	sld [smem:$0x3FB9];
	_ =	sdelay $0x3  }
0x36: {  	p1 =	seq.s32 s10, $0x1;
	s10 =	sld [smem:$0x3FBA];
	_ =	sdelay $0x3  }
0x37: {  	[smem:$0x3FBA] =	sst s10  }
0x38: {  	s10 =	sld [smem:$0x3FBB]  }
0x39: {  	_ = 	snop;
	(pc) =	sbr.ind lr, $3  }
0x3a: {  	_ = 	snop  }
0x3b: {  	_ = 	snop  }
0x3c: {  	p2 =	seq.s32 s10, $0x1;
	s10 =	sld [smem:$0x3FBA]  }
0x3d: {  	_ =	shalt  }
0x3e: {  	_ =	shalt  }
0x3f: {  	_ =	shalt  }
0x40: {  	_ =	shalt  }
0x41: {  	_ =	shalt  }
0x42: {  	_ =	shalt  }
0x43: {  	_ =	shalt  }
0x44: {  	_ =	shalt  }
0x45: {  	_ =	shalt  }
0x46: {  	_ =	shalt  }
0x47: {  	_ =	shalt  }
0x48: {  	_ =	shalt  }
0x49: {  	_ =	shalt  }
0x4a: {  	_ =	shalt  }
0x4b: {  	_ =	shalt  }
0x4c: {  	_ =	shalt  }
0x4d: {  	_ =	shalt  }
0x4e: {  	_ =	shalt  }
0x4f: {  	_ =	shalt  }
0x50: {  	_ =	shalt  }
0x51: {  	_ =	shalt  }
0x52: {  	_ =	shalt  }
0x53: {  	_ =	shalt  }
0x54: {  	_ =	shalt  }
0x55: {  	_ =	shalt  }
0x56: {  	_ =	shalt  }
0x57: {  	_ =	shalt  }
0x58: {  	_ =	shalt  }
0x59: {  	_ =	shalt  }
0x5a: {  	_ =	shalt  }
0x5b: {  	_ =	shalt  }
0x5c: {  	_ =	shalt  }
0x5d: {  	_ =	shalt  }
0x5e: {  	_ =	shalt  }
0x5f: {  	_ =	shalt  }
0x60: {  	_ =	shalt  }
0x61: {  	_ =	shalt  }
0x62: {  	_ =	shalt  }
0x63: {  	_ =	shalt  }
0x64: {  	_ =	shalt  }
0x65: {  	_ =	shalt  }
0x66: {  	_ =	shalt  }
0x67: {  	_ =	shalt  }
0x68: {  	_ =	shalt  }
0x69: {  	_ =	shalt  }
0x6a: {  	_ =	shalt  }
0x6b: {  	_ =	shalt  }
0x6c: {  	_ =	shalt  }
0x6d: {  	_ =	shalt  }
0x6e: {  	_ =	shalt  }
0x6f: {  	_ =	shalt  }
0x70: {  	_ =	shalt  }
0x71: {  	_ =	shalt  }
0x72: {  	_ =	shalt  }
0x73: {  	_ =	shalt  }
0x74: {  	_ =	shalt  }
0x75: {  	_ =	shalt  }
0x76: {  	_ =	shalt  }
0x77: {  	_ =	shalt  }
0x78: {  	_ =	shalt  }
0x79: {  	_ =	shalt  }
0x7a: {  	_ =	shalt  }
0x7b: {  	_ =	shalt  }
0x7c: {  	_ =	shalt  }
0x7d: {  	_ =	shalt  }
0x7e: {  	_ =	shalt  }
0x7f: {  	_ =	shalt  }
0x80: {  	_ =	shalt  }
0x81: {  	_ =	shalt  }
0x82: {  	_ =	shalt  }
0x83: {  	_ =	shalt  }
0x84: {  	_ =	shalt  }
0x85: {  	_ =	shalt  }
0x86: {  	_ =	shalt  }
0x87: {  	_ =	shalt  }
.Lfunc_end0:
.L_simem_size_0:
called_computation_lowered:
.L_overlay_start_0:
0x88: {  	s2 =	sld [smem:$0x3FD9]  }
0x89: {  	s3 =	sld [smem:$0x3FFE];
	_ =	sdelay $0x1  }
0x8a: {  	s1 =	srdreg.scid  }
0x8b: {  	s0 =	sand.u32 $0x1, s1  }
0x8c: {  	s18 =	sshll.u32 s0, $0xA;
	s2 =	sadd.s32 s3, s2  }
0x8d: {  	s2 =	sadd.s32 s2, s18  }
0x8e: {  	[smem:$0x3FC6] =	sst s2  }
0x8f: {  	_ = 	snop  }
0x90: {  	s2 =	sld [smem:$0x3FC9]  }
0x91: {  	s19 =	sld [smem:$0x3FC8]  }
0x92: {  	s4 =	sld [smem:$0x3FD0];
	(tm) =	ssettm $0x1  }
0x93: {  	s5 =	sld [smem:$0x3FFB];
	_ =	sdelay $0x3  }
0x94: {  	_ =	strace s5  }
0x95: {  	s5 =	sld [smem:$0x3FFC];
	_ =	sdelay $0x3  }
0x96: {  	_ =	strace s5  }
0x97: {  	s5 =	sld [smem:$0x3FFD];
	_ =	sdelay $0x3  }
0x98: {  	_ =	strace s5  }
0x99: {  	_ =	strace $0x8FFFFFFF  }
0x9a: {  	s20 =	sld [smem:$0x3FDB];
	_ =	sdelay $0x1  }
0x9b: {  	s6 =	simm.s32 $_scs_section_size  }
0x9c: {  	s7 =	simm.s32 $_size__tile_overlayer_lowered;
	s8 =	simm.s32 $_tile_overlayer_lowered  }
0x9d: {  	s23 =	simm.s32 $0x1BFF;
	s22 =	sshll.u32 s8, $0x1;
	s5 =	sadd.s32 s6, s20  }
0x9e: {  	s9 =	simm.s32 $0x0;
	s21 =	sshll.u32 s7, $0x1;
	s7 =	sadd.s32 s22, s5  }
0x9f: {  	[timem:s9], [sflag:s23] =	dma.local [hbm:s7], s21  }
0xa0: {  	_ =	swait.ge [sflag:s23], s21  }
0xa1: {  	s6 =	ssub.s32 $0x0, s21;
	[sflag:s23] =	ssyncset.done $0x0  }
0xa2: {  	[sflag:s23] =	ssyncadd.s32 s6;
	_ =	sdelay $0x1  }
0xa3: {  	s24 =	simm.s32 $0x1B8B  }
0xa4: {  	_ =	swait.ge [sflag:s24], $0x1  }
0xa5: {  	[sflag:s24] =	ssyncset.done $0x0  }
0xa6: {  	s25 =	simm.s32 $0x1B8E;
	[sflag:s24] =	ssyncadd.s32 $0xFFFFFFFF  }
0xa7: {  	s26 =	simm.s32 $execute0_lowered;
	[smem:$0x3FD2] =	sst s25  }
0xa8: {  	s6 =	sshll.u32 s26, $0x1;
	_ =	strace $0x80000046;
	[dreg:$0x1] =	wrdreg $0xFFFFFFFF  }
0xa9: {  	s28 =	simm.s32 $_size_execute0_lowered;
	s5 =	sadd.s32 s5, s6;
	[dreg:$0x0] =	wrdreg $0x0  }
0xaa: {  	s6 =	sshll.u32 s28, $0x1;
	[dreg:$0x2] =	wrdreg s5  }
0xab: {  	[dreg:$0x3] =	wrdreg s6  }
0xac: {  	[dreg:$0x4] =	wrdreg $0xC0  }
0xad: {  	_ =	task [dreg:s9], $0x5FFFF  }
0xae: {  	[dreg:$0x1] =	wrdreg $0xFFFFFFFF  }
0xaf: {  	[dreg:$0x0] =	wrdreg $0x60  }
0xb0: {  	[dreg:$0x2] =	wrdreg s2  }
0xb1: {  	[dreg:$0x3] =	wrdreg s19  }
0xb2: {  	[dreg:$0x4] =	wrdreg s4  }
0xb3: {  	[dreg:$0x5] =	wrdreg $0x9  }
0xb4: {  	_ =	task.clear_ibuf [dreg:s9], $0x6FFFF;
	_ =	strace $0x90000046  }
0xb5: {  	s29 =	simm.s32 $0x9;
	_ =	strace $0x80000048  }
0xb6: {  	_ =	swait.ge [sflag:s29], $0x1  }
0xb7: {  	[sflag:s29] =	ssyncadd.s32 $0xFFFFFFFF  }
0xb8: {  	_ =	strace $0x90000048  }
0xb9: {  	_ =	sfence  }
0xba: {  	s30 =	sld [smem:$0x0];
	_ =	sdelay $0x2  }
0xbb: {  	s31 =	sshll.u32 s1, $0xD;
	s1 =	sshrl.u32 s1, $0x2  }
0xbc: {  	s3 =	sand.u32 $0x4000, s31;
	s1 =	sadd.s32 s1, s30  }
0xbd: {  	s0 =	sor.u32 s3, s0;
	s1 =	sshll.u32 s1, $0x11  }
0xbe: {  	s0 =	sor.u32 s1, s0  }
0xbf: {  	s0 =	sadd.s32 $0x8F2B, s0  }
0xc0: {  	[sflag:s0] =	ssyncadd.remote.s32 $0x1  }
0xc1: {  	_ =	sfence.sel $0xFFFF  }
0xc2: {  	[dreg:$0x0] =	wrdreg $0xFFFFFFFF;
	(pc) =	sbr.abs _section_cstart, $3  }
0xc3: {  	[dreg:$0x1] =	wrdreg $0xFFFFFFFF  }
0xc4: {  	_ =	task.clear_ibuf [dreg:s9], $0x2FFFF;
	_ =	strace $0x9FFFFFFF  }
0xc5: {  	(tm) =	ssettm $0x7FFFFFFF  }
tec
execute0_lowered:
.L_overlay_start_1:
0x0: {  	(tag) =	ssettag $0x1  }
0x1: {  	s1 =	rddreg [dreg:$0x0]  }
0x2: {  	s7 =	rddreg [dreg:$0x1]  }
0x3: {  	s8 =	rddreg [dreg:$0x2]  }
0x4: {  	s0 =	rddreg [dreg:$0x3];
	s3 =	simm.s32 $0x0  }
0x5: {  	s4 =	srdreg.scid;
	s2 =	stileid.u32;
	s14 =	simm.s32 $0x1  }
0x6: {  	s15 =	simm.s32 $0x1C700;
	s16 =	simm.s32 $0x2;
	s17 =	simm.s32 $0x0  }
0x7: {  	[smem:$0x7FF] =	sst s3;
	s4 =	sand.u32 $0x1, s4;
	s5 =	sshll.u32 s2, $0x9  }
0x8: {  	s6 =	sshrl.u32 s2, $0x1;
	s31 =	sadd.s32 $0x2000, s8;
	s9 =	sshll.u32 s4, $0x8  }
0x9: {  	s5 =	sand.u32 $0x200, s5;
	s10 =	smul.u32 $0xC3800, s6;
	s4 =	ssub.s32 $0x2, s4  }
0xa: {  	_ =	strace $0x80000047;
	s5 =	sor.u32 s9, s5;
	s26 =	sshrl.u32 s4, $0x1  }
0xb: {  	s6 =	sshll.u32 s6, $0x11;
	s11 =	sor.u32 s10, s5;
	s12 =	ssub.s32 s4, s26  }
0xc: {  	s29 =	sor.u32 s6, s5;
	s30 =	sor.u32 $0x80, s5;
	s28 =	sshrl.u32 s11, $0x3  }
0xd: {  	s9 =	sshrl.u32 s29, $0x3;
	s10 =	sor.u32 s10, s30;
	s6 =	sor.u32 s6, s30  }
0xe: {  	s11 =	simm.s32 $0x18700;
	s4 =	sadd.s32 s7, s28;
	s5 =	sadd.s32 s8, s9  }
0xf: {  	s10 =	sshrl.u32 s10, $0x3;
	s13 =	sshrl.u32 s6, $0x3;
	s6 =	sadd.s32 s9, s31  }
0x10: {  	s7 =	sadd.s32 s7, s10;
	s8 =	sadd.s32 s8, s13;
	s9 =	sadd.s32 s13, s31  }
0x11: {  	s10 =	smax.u32 s12, $0x1;
	s12 =	simm.s32 $0x80;
	s13 =	simm.s32 $0x400  }
.LBB2_1:
0x12: {  	[tilespmem:s11], [sflag:$0x1] =	stream.linear.gather [hbm4b:s1+s3], $0x4000, $0x38;
	[tilespmem:$0x1E700] =	vst v63  }
0x13: {  	_ = 	snop  }
0x14: {  	[tilespmem:s3], [sflag:$0x1] =	stream.strided.gather [hbm4b:s4+s12], $0x18700, s13, s12, $0x38;
	[tilespmem:$0x1E700] =	vst v63  }
0x15: {  	_ =	swait.ge [sflag:s14], $0x4000  }
0x16: {  	[sflag:s14] =	ssyncset.done $0x0  }
0x17: {  	[sflag:s14] =	ssyncadd.s32 $0xFFFFC000  }
0x18: {  	_ =	swait.ge [sflag:s14], $0x18700  }
0x19: {  	[sflag:s14] =	ssyncset.done $0x0  }
0x1a: {  	s18 =	simm.s32 $0x0;
	[sflag:s14] =	ssyncadd.s32 $0xFFFE7900  }
0x1b: {  	v14 =	vld [tilespmem:s18+$0x18700]  }
0x1c: {  	v0 =	vld [tilespmem:s18+$0x18710]  }
0x1d: {  	v1 =	vld [tilespmem:s18+$0x18720]  }
0x1e: {  	v2 =	vld [tilespmem:s18+$0x18730]  }
0x1f: {  	v3 =	vld [tilespmem:s18+$0x18740]  }
0x20: {  	v4 =	vld [tilespmem:s18+$0x18750]  }
0x21: {  	v5 =	vld [tilespmem:s18+$0x18760]  }
0x22: {  	v7 =	vld [tilespmem:s18+$0x18770]  }
0x23: {  	v9 =	vld [tilespmem:s18+$0x18780]  }
0x24: {  	v6 =	vld [tilespmem:s18+$0x18790]  }
0x25: {  	v8 =	vld [tilespmem:s18+$0x187A0]  }
0x26: {  	v10 =	vld [tilespmem:s18+$0x187B0]  }
0x27: {  	v11 =	vld [tilespmem:s18+$0x187C0]  }
0x28: {  	v12 =	vld [tilespmem:s18+$0x187D0]  }
0x29: {  	v13 =	vld [tilespmem:s18+$0x187E0]  }
0x2a: {  	v15 =	vld [tilespmem:s18+$0x187F0]  }
0x2b: {  	s19 =	simm.s32 $0x400;
	v14 =	vld.idx.msk [tilespmem:v14+s3+$0x0], $0xffff  }
.LBB2_2:
0x2c: {  	p0 =	sne.s32 s19, $0x7C00;
	v16 =	vld.idx.msk [tilespmem:v0+s3+$0x0], $0xffff  }
0x2d: {  	v17 =	vld.idx.msk [tilespmem:v1+s3+$0x0], $0xffff  }
0x2e: {  	v18 =	vld.idx.msk [tilespmem:v2+s3+$0x0], $0xffff  }
0x2f: {  	v19 =	vld.idx.msk [tilespmem:v3+s3+$0x0], $0xffff  }
0x30: {  	v20 =	vld.idx.msk [tilespmem:v4+s3+$0x0], $0xffff  }
0x31: {  	v21 =	vld.idx.msk [tilespmem:v5+s3+$0x0], $0xffff  }
0x32: {  	v22 =	vld.idx.msk [tilespmem:v7+s3+$0x0], $0xffff  }
0x33: {  	v23 =	vld.idx.msk [tilespmem:v9+s3+$0x0], $0xffff  }
0x34: {  	v0 =	vld.idx.msk [tilespmem:v15+s3+$0x0], $0xffff  }
0x35: {  	v15 =	vld.idx.msk [tilespmem:v6+s3+$0x0], $0xffff  }
0x36: {  	v24 =	vld.idx.msk [tilespmem:v8+s3+$0x0], $0xffff  }
0x37: {  	v25 =	vld.idx.msk [tilespmem:v10+s3+$0x0], $0xffff  }
0x38: {  	v26 =	vld.idx.msk [tilespmem:v11+s3+$0x0], $0xffff  }
0x39: {  	v27 =	vld.idx.msk [tilespmem:v12+s3+$0x0], $0xffff  }
0x3a: {  	s20 =	sshra.s32 s19, $0x2;
	v28 =	vld.idx.msk [tilespmem:v13+s3+$0x0], $0xffff;
	[tilespmem:s18+$0x1C7F0] =	vst v0  }
0x3b: {  	v29 =	vld [tilespmem:s20+$0x18700];
	[tilespmem:s18+$0x1C700] =	vst v14  }
0x3c: {  	v0 =	vld [tilespmem:s20+$0x18710];
	[tilespmem:s18+$0x1C710] =	vst v16  }
0x3d: {  	v1 =	vld [tilespmem:s20+$0x18720];
	[tilespmem:s18+$0x1C720] =	vst v17  }
0x3e: {  	v2 =	vld [tilespmem:s20+$0x18730];
	[tilespmem:s18+$0x1C730] =	vst v18  }
0x3f: {  	v3 =	vld [tilespmem:s20+$0x18740];
	[tilespmem:s18+$0x1C740] =	vst v19  }
0x40: {  	v4 =	vld [tilespmem:s20+$0x18750];
	[tilespmem:s18+$0x1C750] =	vst v20  }
0x41: {  	v5 =	vld [tilespmem:s20+$0x18760];
	[tilespmem:s18+$0x1C760] =	vst v21  }
0x42: {  	v7 =	vld [tilespmem:s20+$0x18770];
	[tilespmem:s18+$0x1C770] =	vst v22  }
0x43: {  	v9 =	vld [tilespmem:s20+$0x18780];
	[tilespmem:s18+$0x1C780] =	vst v23  }
0x44: {  	v6 =	vld [tilespmem:s20+$0x18790];
	[tilespmem:s18+$0x1C790] =	vst v15  }
0x45: {  	v8 =	vld [tilespmem:s20+$0x187A0];
	[tilespmem:s18+$0x1C7A0] =	vst v24  }
0x46: {  	v10 =	vld [tilespmem:s20+$0x187B0];
	[tilespmem:s18+$0x1C7B0] =	vst v25  }
.Ltmp0:
0x47: {  	v11 =	vld [tilespmem:s20+$0x187C0];
	[tilespmem:s18+$0x1C7C0] =	vst v26;
	(pc) =	sbr.rel @p0 .LBB2_2-.Ltmp0, $4  }
0x48: {  	v12 =	vld [tilespmem:s20+$0x187D0];
	[tilespmem:s18+$0x1C7D0] =	vst v27  }
0x49: {  	v13 =	vld [tilespmem:s20+$0x187E0];
	[tilespmem:s18+$0x1C7E0] =	vst v28;
	s18 =	smov.u32 s20  }
0x4a: {  	v15 =	vld [tilespmem:s18+$0x187F0]  }
0x4b: {  	s19 =	sadd.s32 $0x400, s19;
	v14 =	vld.idx.msk [tilespmem:v29+s3+$0x0], $0xffff  }
0x4c: {  	_ =	sdelay $0x3  }
0x4d: {  	v0 =	vld.idx.msk [tilespmem:v0+s3+$0x0], $0xffff  }
0x4e: {  	v1 =	vld.idx.msk [tilespmem:v1+s3+$0x0], $0xffff  }
0x4f: {  	v2 =	vld.idx.msk [tilespmem:v2+s3+$0x0], $0xffff  }
0x50: {  	v3 =	vld.idx.msk [tilespmem:v3+s3+$0x0], $0xffff  }
0x51: {  	v4 =	vld.idx.msk [tilespmem:v4+s3+$0x0], $0xffff  }
0x52: {  	v5 =	vld.idx.msk [tilespmem:v5+s3+$0x0], $0xffff  }
0x53: {  	v7 =	vld.idx.msk [tilespmem:v7+s3+$0x0], $0xffff  }
0x54: {  	v9 =	vld.idx.msk [tilespmem:v9+s3+$0x0], $0xffff  }
0x55: {  	v6 =	vld.idx.msk [tilespmem:v6+s3+$0x0], $0xffff  }
0x56: {  	v8 =	vld.idx.msk [tilespmem:v8+s3+$0x0], $0xffff  }
0x57: {  	v10 =	vld.idx.msk [tilespmem:v10+s3+$0x0], $0xffff  }
0x58: {  	v11 =	vld.idx.msk [tilespmem:v11+s3+$0x0], $0xffff  }
0x59: {  	v12 =	vld.idx.msk [tilespmem:v12+s3+$0x0], $0xffff  }
0x5a: {  	v13 =	vld.idx.msk [tilespmem:v13+s3+$0x0], $0xffff  }
0x5b: {  	v15 =	vld.idx.msk [tilespmem:v15+s3+$0x0], $0xffff;
	[tilespmem:s18+$0x1C700] =	vst v14  }
0x5c: {  	[tilespmem:s18+$0x1C710] =	vst v0  }
0x5d: {  	[tilespmem:s18+$0x1C720] =	vst v1  }
0x5e: {  	[tilespmem:s18+$0x1C730] =	vst v2  }
0x5f: {  	[tilespmem:s18+$0x1C740] =	vst v3  }
0x60: {  	[tilespmem:s18+$0x1C750] =	vst v4  }
0x61: {  	[tilespmem:s18+$0x1C760] =	vst v5  }
0x62: {  	[tilespmem:s18+$0x1C770] =	vst v7  }
0x63: {  	[tilespmem:s18+$0x1C780] =	vst v9  }
0x64: {  	[tilespmem:s18+$0x1C790] =	vst v6  }
0x65: {  	[tilespmem:s18+$0x1C7A0] =	vst v8  }
0x66: {  	[tilespmem:s18+$0x1C7B0] =	vst v10  }
0x67: {  	[tilespmem:s18+$0x1C7C0] =	vst v11  }
0x68: {  	[tilespmem:s18+$0x1C7D0] =	vst v12  }
0x69: {  	[tilespmem:s18+$0x1C7E0] =	vst v13  }
0x6a: {  	[tilespmem:s18+$0x1C7F0] =	vst v15  }
0x6b: {  	[hbm4b:s5+s12] =	stream.strided.scatter [tilespmem:s15], [sflag:$0x2], $0x2000, s13, s12, $0x38;
	[tilespmem:$0x1E700] =	vst v63  }
0x6c: {  	_ =	swait.ge [sflag:s16], $0x2000  }
0x6d: {  	[sflag:s16] =	ssyncset.done $0x0  }
0x6e: {  	s18 =	simm.s32 $0x0;
	[sflag:s16] =	ssyncadd.s32 $0xFFFFE000  }
0x6f: {  	v14 =	vld [tilespmem:s18+$0x1A700]  }
0x70: {  	v0 =	vld [tilespmem:s18+$0x1A710]  }
0x71: {  	v1 =	vld [tilespmem:s18+$0x1A720]  }
0x72: {  	v2 =	vld [tilespmem:s18+$0x1A730]  }
0x73: {  	v3 =	vld [tilespmem:s18+$0x1A740]  }
0x74: {  	v4 =	vld [tilespmem:s18+$0x1A750]  }
0x75: {  	v5 =	vld [tilespmem:s18+$0x1A760]  }
0x76: {  	v7 =	vld [tilespmem:s18+$0x1A770]  }
0x77: {  	v9 =	vld [tilespmem:s18+$0x1A780]  }
0x78: {  	v6 =	vld [tilespmem:s18+$0x1A790]  }
0x79: {  	v8 =	vld [tilespmem:s18+$0x1A7A0]  }
0x7a: {  	v10 =	vld [tilespmem:s18+$0x1A7B0]  }
0x7b: {  	v11 =	vld [tilespmem:s18+$0x1A7C0]  }
0x7c: {  	v12 =	vld [tilespmem:s18+$0x1A7D0]  }
0x7d: {  	v13 =	vld [tilespmem:s18+$0x1A7E0]  }
0x7e: {  	v15 =	vld [tilespmem:s18+$0x1A7F0]  }
0x7f: {  	s19 =	simm.s32 $0x400;
	v14 =	vld.idx.msk [tilespmem:v14+s3+$0x0], $0xffff  }
.LBB2_4:
0x80: {  	p0 =	sne.s32 s19, $0x7C00;
	v16 =	vld.idx.msk [tilespmem:v0+s3+$0x0], $0xffff  }
0x81: {  	v17 =	vld.idx.msk [tilespmem:v1+s3+$0x0], $0xffff  }
0x82: {  	v18 =	vld.idx.msk [tilespmem:v2+s3+$0x0], $0xffff  }
0x83: {  	v19 =	vld.idx.msk [tilespmem:v3+s3+$0x0], $0xffff  }
0x84: {  	v20 =	vld.idx.msk [tilespmem:v4+s3+$0x0], $0xffff  }
0x85: {  	v21 =	vld.idx.msk [tilespmem:v5+s3+$0x0], $0xffff  }
0x86: {  	v22 =	vld.idx.msk [tilespmem:v7+s3+$0x0], $0xffff  }
0x87: {  	v23 =	vld.idx.msk [tilespmem:v9+s3+$0x0], $0xffff  }
0x88: {  	v0 =	vld.idx.msk [tilespmem:v15+s3+$0x0], $0xffff  }
0x89: {  	v15 =	vld.idx.msk [tilespmem:v6+s3+$0x0], $0xffff  }
0x8a: {  	v24 =	vld.idx.msk [tilespmem:v8+s3+$0x0], $0xffff  }
0x8b: {  	v25 =	vld.idx.msk [tilespmem:v10+s3+$0x0], $0xffff  }
0x8c: {  	v26 =	vld.idx.msk [tilespmem:v11+s3+$0x0], $0xffff  }
0x8d: {  	v27 =	vld.idx.msk [tilespmem:v12+s3+$0x0], $0xffff  }
0x8e: {  	s20 =	sshra.s32 s19, $0x2;
	v28 =	vld.idx.msk [tilespmem:v13+s3+$0x0], $0xffff;
	[tilespmem:s18+$0x1C7F0] =	vst v0  }
0x8f: {  	v29 =	vld [tilespmem:s20+$0x1A700];
	[tilespmem:s18+$0x1C700] =	vst v14  }
0x90: {  	v0 =	vld [tilespmem:s20+$0x1A710];
	[tilespmem:s18+$0x1C710] =	vst v16  }
0x91: {  	v1 =	vld [tilespmem:s20+$0x1A720];
	[tilespmem:s18+$0x1C720] =	vst v17  }
0x92: {  	v2 =	vld [tilespmem:s20+$0x1A730];
	[tilespmem:s18+$0x1C730] =	vst v18  }
0x93: {  	v3 =	vld [tilespmem:s20+$0x1A740];
	[tilespmem:s18+$0x1C740] =	vst v19  }
0x94: {  	v4 =	vld [tilespmem:s20+$0x1A750];
	[tilespmem:s18+$0x1C750] =	vst v20  }
0x95: {  	v5 =	vld [tilespmem:s20+$0x1A760];
	[tilespmem:s18+$0x1C760] =	vst v21  }
0x96: {  	v7 =	vld [tilespmem:s20+$0x1A770];
	[tilespmem:s18+$0x1C770] =	vst v22  }
0x97: {  	v9 =	vld [tilespmem:s20+$0x1A780];
	[tilespmem:s18+$0x1C780] =	vst v23  }
0x98: {  	v6 =	vld [tilespmem:s20+$0x1A790];
	[tilespmem:s18+$0x1C790] =	vst v15  }
0x99: {  	v8 =	vld [tilespmem:s20+$0x1A7A0];
	[tilespmem:s18+$0x1C7A0] =	vst v24  }
0x9a: {  	v10 =	vld [tilespmem:s20+$0x1A7B0];
	[tilespmem:s18+$0x1C7B0] =	vst v25  }
.Ltmp1:
0x9b: {  	v11 =	vld [tilespmem:s20+$0x1A7C0];
	[tilespmem:s18+$0x1C7C0] =	vst v26;
	(pc) =	sbr.rel @p0 .LBB2_4-.Ltmp1, $4  }
0x9c: {  	v12 =	vld [tilespmem:s20+$0x1A7D0];
	[tilespmem:s18+$0x1C7D0] =	vst v27  }
0x9d: {  	v13 =	vld [tilespmem:s20+$0x1A7E0];
	[tilespmem:s18+$0x1C7E0] =	vst v28;
	s18 =	smov.u32 s20  }
0x9e: {  	v15 =	vld [tilespmem:s18+$0x1A7F0]  }
0x9f: {  	s19 =	sadd.s32 $0x400, s19;
	v14 =	vld.idx.msk [tilespmem:v29+s3+$0x0], $0xffff  }
0xa0: {  	_ =	sdelay $0x3  }
0xa1: {  	v0 =	vld.idx.msk [tilespmem:v0+s3+$0x0], $0xffff  }
0xa2: {  	v1 =	vld.idx.msk [tilespmem:v1+s3+$0x0], $0xffff  }
0xa3: {  	v2 =	vld.idx.msk [tilespmem:v2+s3+$0x0], $0xffff  }
0xa4: {  	v3 =	vld.idx.msk [tilespmem:v3+s3+$0x0], $0xffff  }
0xa5: {  	v4 =	vld.idx.msk [tilespmem:v4+s3+$0x0], $0xffff  }
0xa6: {  	v5 =	vld.idx.msk [tilespmem:v5+s3+$0x0], $0xffff  }
0xa7: {  	v7 =	vld.idx.msk [tilespmem:v7+s3+$0x0], $0xffff  }
0xa8: {  	v9 =	vld.idx.msk [tilespmem:v9+s3+$0x0], $0xffff  }
0xa9: {  	v6 =	vld.idx.msk [tilespmem:v6+s3+$0x0], $0xffff  }
0xaa: {  	v8 =	vld.idx.msk [tilespmem:v8+s3+$0x0], $0xffff  }
0xab: {  	v10 =	vld.idx.msk [tilespmem:v10+s3+$0x0], $0xffff  }
0xac: {  	v11 =	vld.idx.msk [tilespmem:v11+s3+$0x0], $0xffff  }
0xad: {  	v12 =	vld.idx.msk [tilespmem:v12+s3+$0x0], $0xffff  }
0xae: {  	v13 =	vld.idx.msk [tilespmem:v13+s3+$0x0], $0xffff  }
0xaf: {  	v15 =	vld.idx.msk [tilespmem:v15+s3+$0x0], $0xffff;
	[tilespmem:s18+$0x1C700] =	vst v14  }
0xb0: {  	[tilespmem:s18+$0x1C710] =	vst v0  }
0xb1: {  	[tilespmem:s18+$0x1C720] =	vst v1  }
0xb2: {  	[tilespmem:s18+$0x1C730] =	vst v2  }
0xb3: {  	[tilespmem:s18+$0x1C740] =	vst v3  }
0xb4: {  	[tilespmem:s18+$0x1C750] =	vst v4  }
0xb5: {  	[tilespmem:s18+$0x1C760] =	vst v5  }
0xb6: {  	[tilespmem:s18+$0x1C770] =	vst v7  }
0xb7: {  	[tilespmem:s18+$0x1C780] =	vst v9  }
0xb8: {  	[tilespmem:s18+$0x1C790] =	vst v6  }
0xb9: {  	[tilespmem:s18+$0x1C7A0] =	vst v8  }
0xba: {  	[tilespmem:s18+$0x1C7B0] =	vst v10  }
0xbb: {  	[tilespmem:s18+$0x1C7C0] =	vst v11  }
0xbc: {  	[tilespmem:s18+$0x1C7D0] =	vst v12  }
0xbd: {  	[tilespmem:s18+$0x1C7E0] =	vst v13  }
0xbe: {  	[tilespmem:s18+$0x1C7F0] =	vst v15  }
0xbf: {  	[hbm4b:s6+s12] =	stream.strided.scatter [tilespmem:s15], [sflag:$0x2], $0x2000, s13, s12, $0x38;
	[tilespmem:$0x1E700] =	vst v63  }
0xc0: {  	_ =	swait.ge [sflag:s16], $0x2000  }
0xc1: {  	[sflag:s16] =	ssyncset.done $0x0  }
0xc2: {  	s31 =	simm.s32 $0x0;
	[sflag:s16] =	ssyncadd.s32 $0xFFFFE000  }
0xc3: {  	[tilespmem:s31], [sflag:$0x2] =	stream.strided.gather [hbm4b:s7+s12], $0x18700, s13, s12, $0x38;
	[tilespmem:$0x1E700] =	vst v63  }
0xc4: {  	_ =	swait.ge [sflag:s16], $0x18700  }
0xc5: {  	[sflag:s16] =	ssyncset.done $0x0  }
0xc6: {  	s18 =	simm.s32 $0x0;
	[sflag:s16] =	ssyncadd.s32 $0xFFFE7900  }
0xc7: {  	v14 =	vld [tilespmem:s18+$0x18700]  }
0xc8: {  	v0 =	vld [tilespmem:s18+$0x18710]  }
0xc9: {  	v1 =	vld [tilespmem:s18+$0x18720]  }
0xca: {  	v2 =	vld [tilespmem:s18+$0x18730]  }
0xcb: {  	v3 =	vld [tilespmem:s18+$0x18740]  }
0xcc: {  	v4 =	vld [tilespmem:s18+$0x18750]  }
0xcd: {  	v5 =	vld [tilespmem:s18+$0x18760]  }
0xce: {  	v7 =	vld [tilespmem:s18+$0x18770]  }
0xcf: {  	v9 =	vld [tilespmem:s18+$0x18780]  }
0xd0: {  	v6 =	vld [tilespmem:s18+$0x18790]  }
0xd1: {  	v8 =	vld [tilespmem:s18+$0x187A0]  }
0xd2: {  	v10 =	vld [tilespmem:s18+$0x187B0]  }
0xd3: {  	v11 =	vld [tilespmem:s18+$0x187C0]  }
0xd4: {  	v12 =	vld [tilespmem:s18+$0x187D0]  }
0xd5: {  	v13 =	vld [tilespmem:s18+$0x187E0]  }
0xd6: {  	v15 =	vld [tilespmem:s18+$0x187F0]  }
0xd7: {  	s19 =	simm.s32 $0x400;
	v14 =	vld.idx.msk [tilespmem:v14+s3+$0x0], $0xffff  }
.LBB2_6:
0xd8: {  	p0 =	sne.s32 s19, $0x7C00;
	v16 =	vld.idx.msk [tilespmem:v0+s3+$0x0], $0xffff  }
0xd9: {  	v17 =	vld.idx.msk [tilespmem:v1+s3+$0x0], $0xffff  }
0xda: {  	v18 =	vld.idx.msk [tilespmem:v2+s3+$0x0], $0xffff  }
0xdb: {  	v19 =	vld.idx.msk [tilespmem:v3+s3+$0x0], $0xffff  }
0xdc: {  	v20 =	vld.idx.msk [tilespmem:v4+s3+$0x0], $0xffff  }
0xdd: {  	v21 =	vld.idx.msk [tilespmem:v5+s3+$0x0], $0xffff  }
0xde: {  	v22 =	vld.idx.msk [tilespmem:v7+s3+$0x0], $0xffff  }
0xdf: {  	v23 =	vld.idx.msk [tilespmem:v9+s3+$0x0], $0xffff  }
0xe0: {  	v0 =	vld.idx.msk [tilespmem:v15+s3+$0x0], $0xffff  }
0xe1: {  	v15 =	vld.idx.msk [tilespmem:v6+s3+$0x0], $0xffff  }
0xe2: {  	v24 =	vld.idx.msk [tilespmem:v8+s3+$0x0], $0xffff  }
0xe3: {  	v25 =	vld.idx.msk [tilespmem:v10+s3+$0x0], $0xffff  }
0xe4: {  	v26 =	vld.idx.msk [tilespmem:v11+s3+$0x0], $0xffff  }
0xe5: {  	v27 =	vld.idx.msk [tilespmem:v12+s3+$0x0], $0xffff  }
0xe6: {  	s20 =	sshra.s32 s19, $0x2;
	v28 =	vld.idx.msk [tilespmem:v13+s3+$0x0], $0xffff;
	[tilespmem:s18+$0x1C7F0] =	vst v0  }
0xe7: {  	v29 =	vld [tilespmem:s20+$0x18700];
	[tilespmem:s18+$0x1C700] =	vst v14  }
0xe8: {  	v0 =	vld [tilespmem:s20+$0x18710];
	[tilespmem:s18+$0x1C710] =	vst v16  }
0xe9: {  	v1 =	vld [tilespmem:s20+$0x18720];
	[tilespmem:s18+$0x1C720] =	vst v17  }
0xea: {  	v2 =	vld [tilespmem:s20+$0x18730];
	[tilespmem:s18+$0x1C730] =	vst v18  }
0xeb: {  	v3 =	vld [tilespmem:s20+$0x18740];
	[tilespmem:s18+$0x1C740] =	vst v19  }
0xec: {  	v4 =	vld [tilespmem:s20+$0x18750];
	[tilespmem:s18+$0x1C750] =	vst v20  }
0xed: {  	v5 =	vld [tilespmem:s20+$0x18760];
	[tilespmem:s18+$0x1C760] =	vst v21  }
0xee: {  	v7 =	vld [tilespmem:s20+$0x18770];
	[tilespmem:s18+$0x1C770] =	vst v22  }
0xef: {  	v9 =	vld [tilespmem:s20+$0x18780];
	[tilespmem:s18+$0x1C780] =	vst v23  }
0xf0: {  	v6 =	vld [tilespmem:s20+$0x18790];
	[tilespmem:s18+$0x1C790] =	vst v15  }
0xf1: {  	v8 =	vld [tilespmem:s20+$0x187A0];
	[tilespmem:s18+$0x1C7A0] =	vst v24  }
0xf2: {  	v10 =	vld [tilespmem:s20+$0x187B0];
	[tilespmem:s18+$0x1C7B0] =	vst v25  }
.Ltmp2:
0xf3: {  	v11 =	vld [tilespmem:s20+$0x187C0];
	[tilespmem:s18+$0x1C7C0] =	vst v26;
	(pc) =	sbr.rel @p0 .LBB2_6-.Ltmp2, $4  }
0xf4: {  	v12 =	vld [tilespmem:s20+$0x187D0];
	[tilespmem:s18+$0x1C7D0] =	vst v27  }
0xf5: {  	v13 =	vld [tilespmem:s20+$0x187E0];
	[tilespmem:s18+$0x1C7E0] =	vst v28;
	s18 =	smov.u32 s20  }
0xf6: {  	v15 =	vld [tilespmem:s18+$0x187F0]  }
0xf7: {  	s19 =	sadd.s32 $0x400, s19;
	v14 =	vld.idx.msk [tilespmem:v29+s3+$0x0], $0xffff  }
0xf8: {  	_ =	sdelay $0x3  }
0xf9: {  	v0 =	vld.idx.msk [tilespmem:v0+s3+$0x0], $0xffff  }
0xfa: {  	v1 =	vld.idx.msk [tilespmem:v1+s3+$0x0], $0xffff  }
0xfb: {  	v2 =	vld.idx.msk [tilespmem:v2+s3+$0x0], $0xffff  }
0xfc: {  	v3 =	vld.idx.msk [tilespmem:v3+s3+$0x0], $0xffff  }
0xfd: {  	v4 =	vld.idx.msk [tilespmem:v4+s3+$0x0], $0xffff  }
0xfe: {  	v5 =	vld.idx.msk [tilespmem:v5+s3+$0x0], $0xffff  }
0xff: {  	v7 =	vld.idx.msk [tilespmem:v7+s3+$0x0], $0xffff  }
0x100: {  	v9 =	vld.idx.msk [tilespmem:v9+s3+$0x0], $0xffff  }
0x101: {  	v6 =	vld.idx.msk [tilespmem:v6+s3+$0x0], $0xffff  }
0x102: {  	v8 =	vld.idx.msk [tilespmem:v8+s3+$0x0], $0xffff  }
0x103: {  	v10 =	vld.idx.msk [tilespmem:v10+s3+$0x0], $0xffff  }
0x104: {  	v11 =	vld.idx.msk [tilespmem:v11+s3+$0x0], $0xffff  }
0x105: {  	v12 =	vld.idx.msk [tilespmem:v12+s3+$0x0], $0xffff  }
0x106: {  	v13 =	vld.idx.msk [tilespmem:v13+s3+$0x0], $0xffff  }
0x107: {  	v15 =	vld.idx.msk [tilespmem:v15+s3+$0x0], $0xffff;
	[tilespmem:s18+$0x1C700] =	vst v14  }
0x108: {  	[tilespmem:s18+$0x1C710] =	vst v0  }
0x109: {  	[tilespmem:s18+$0x1C720] =	vst v1  }
0x10a: {  	[tilespmem:s18+$0x1C730] =	vst v2  }
0x10b: {  	[tilespmem:s18+$0x1C740] =	vst v3  }
0x10c: {  	[tilespmem:s18+$0x1C750] =	vst v4  }
0x10d: {  	[tilespmem:s18+$0x1C760] =	vst v5  }
0x10e: {  	[tilespmem:s18+$0x1C770] =	vst v7  }
0x10f: {  	[tilespmem:s18+$0x1C780] =	vst v9  }
0x110: {  	[tilespmem:s18+$0x1C790] =	vst v6  }
0x111: {  	[tilespmem:s18+$0x1C7A0] =	vst v8  }
0x112: {  	[tilespmem:s18+$0x1C7B0] =	vst v10  }
0x113: {  	[tilespmem:s18+$0x1C7C0] =	vst v11  }
0x114: {  	[tilespmem:s18+$0x1C7D0] =	vst v12  }
0x115: {  	[tilespmem:s18+$0x1C7E0] =	vst v13  }
0x116: {  	[tilespmem:s18+$0x1C7F0] =	vst v15  }
0x117: {  	[hbm4b:s8+s12] =	stream.strided.scatter [tilespmem:s15], [sflag:$0x2], $0x2000, s13, s12, $0x38;
	[tilespmem:$0x1E700] =	vst v63  }
0x118: {  	_ =	swait.ge [sflag:s16], $0x2000  }
0x119: {  	[sflag:s16] =	ssyncset.done $0x0  }
0x11a: {  	s18 =	simm.s32 $0x0;
	[sflag:s16] =	ssyncadd.s32 $0xFFFFE000  }
0x11b: {  	v14 =	vld [tilespmem:s18+$0x1A700]  }
0x11c: {  	v0 =	vld [tilespmem:s18+$0x1A710]  }
0x11d: {  	v1 =	vld [tilespmem:s18+$0x1A720]  }
0x11e: {  	v2 =	vld [tilespmem:s18+$0x1A730]  }
0x11f: {  	v3 =	vld [tilespmem:s18+$0x1A740]  }
0x120: {  	v4 =	vld [tilespmem:s18+$0x1A750]  }
0x121: {  	v5 =	vld [tilespmem:s18+$0x1A760]  }
0x122: {  	v7 =	vld [tilespmem:s18+$0x1A770]  }
0x123: {  	v9 =	vld [tilespmem:s18+$0x1A780]  }
0x124: {  	v6 =	vld [tilespmem:s18+$0x1A790]  }
0x125: {  	v8 =	vld [tilespmem:s18+$0x1A7A0]  }
0x126: {  	v10 =	vld [tilespmem:s18+$0x1A7B0]  }
0x127: {  	v11 =	vld [tilespmem:s18+$0x1A7C0]  }
0x128: {  	v12 =	vld [tilespmem:s18+$0x1A7D0]  }
0x129: {  	v13 =	vld [tilespmem:s18+$0x1A7E0]  }
0x12a: {  	v15 =	vld [tilespmem:s18+$0x1A7F0]  }
0x12b: {  	s19 =	simm.s32 $0x400;
	v14 =	vld.idx.msk [tilespmem:v14+s3+$0x0], $0xffff  }
.LBB2_8:
0x12c: {  	p0 =	sne.s32 s19, $0x7C00;
	v16 =	vld.idx.msk [tilespmem:v0+s3+$0x0], $0xffff  }
0x12d: {  	v17 =	vld.idx.msk [tilespmem:v1+s3+$0x0], $0xffff  }
0x12e: {  	v18 =	vld.idx.msk [tilespmem:v2+s3+$0x0], $0xffff  }
0x12f: {  	v19 =	vld.idx.msk [tilespmem:v3+s3+$0x0], $0xffff  }
0x130: {  	v20 =	vld.idx.msk [tilespmem:v4+s3+$0x0], $0xffff  }
0x131: {  	v21 =	vld.idx.msk [tilespmem:v5+s3+$0x0], $0xffff  }
0x132: {  	v22 =	vld.idx.msk [tilespmem:v7+s3+$0x0], $0xffff  }
0x133: {  	v23 =	vld.idx.msk [tilespmem:v9+s3+$0x0], $0xffff  }
0x134: {  	v0 =	vld.idx.msk [tilespmem:v15+s3+$0x0], $0xffff  }
0x135: {  	v15 =	vld.idx.msk [tilespmem:v6+s3+$0x0], $0xffff  }
0x136: {  	v24 =	vld.idx.msk [tilespmem:v8+s3+$0x0], $0xffff  }
0x137: {  	v25 =	vld.idx.msk [tilespmem:v10+s3+$0x0], $0xffff  }
0x138: {  	v26 =	vld.idx.msk [tilespmem:v11+s3+$0x0], $0xffff  }
0x139: {  	v27 =	vld.idx.msk [tilespmem:v12+s3+$0x0], $0xffff  }
0x13a: {  	s20 =	sshra.s32 s19, $0x2;
	v28 =	vld.idx.msk [tilespmem:v13+s3+$0x0], $0xffff;
	[tilespmem:s18+$0x1C7F0] =	vst v0  }
0x13b: {  	v29 =	vld [tilespmem:s20+$0x1A700];
	[tilespmem:s18+$0x1C700] =	vst v14  }
0x13c: {  	v0 =	vld [tilespmem:s20+$0x1A710];
	[tilespmem:s18+$0x1C710] =	vst v16  }
0x13d: {  	v1 =	vld [tilespmem:s20+$0x1A720];
	[tilespmem:s18+$0x1C720] =	vst v17  }
0x13e: {  	v2 =	vld [tilespmem:s20+$0x1A730];
	[tilespmem:s18+$0x1C730] =	vst v18  }
0x13f: {  	v3 =	vld [tilespmem:s20+$0x1A740];
	[tilespmem:s18+$0x1C740] =	vst v19  }
0x140: {  	v4 =	vld [tilespmem:s20+$0x1A750];
	[tilespmem:s18+$0x1C750] =	vst v20  }
0x141: {  	v5 =	vld [tilespmem:s20+$0x1A760];
	[tilespmem:s18+$0x1C760] =	vst v21  }
0x142: {  	v7 =	vld [tilespmem:s20+$0x1A770];
	[tilespmem:s18+$0x1C770] =	vst v22  }
0x143: {  	v9 =	vld [tilespmem:s20+$0x1A780];
	[tilespmem:s18+$0x1C780] =	vst v23  }
0x144: {  	v6 =	vld [tilespmem:s20+$0x1A790];
	[tilespmem:s18+$0x1C790] =	vst v15  }
0x145: {  	v8 =	vld [tilespmem:s20+$0x1A7A0];
	[tilespmem:s18+$0x1C7A0] =	vst v24  }
0x146: {  	v10 =	vld [tilespmem:s20+$0x1A7B0];
	[tilespmem:s18+$0x1C7B0] =	vst v25  }
.Ltmp3:
0x147: {  	v11 =	vld [tilespmem:s20+$0x1A7C0];
	[tilespmem:s18+$0x1C7C0] =	vst v26;
	(pc) =	sbr.rel @p0 .LBB2_8-.Ltmp3, $4  }
0x148: {  	v12 =	vld [tilespmem:s20+$0x1A7D0];
	[tilespmem:s18+$0x1C7D0] =	vst v27  }
0x149: {  	v13 =	vld [tilespmem:s20+$0x1A7E0];
	[tilespmem:s18+$0x1C7E0] =	vst v28;
	s18 =	smov.u32 s20  }
0x14a: {  	v15 =	vld [tilespmem:s18+$0x1A7F0]  }
0x14b: {  	s19 =	sadd.s32 $0x400, s19;
	v14 =	vld.idx.msk [tilespmem:v29+s3+$0x0], $0xffff  }
0x14c: {  	_ =	sdelay $0x3  }
0x14d: {  	v0 =	vld.idx.msk [tilespmem:v0+s3+$0x0], $0xffff  }
0x14e: {  	v1 =	vld.idx.msk [tilespmem:v1+s3+$0x0], $0xffff  }
0x14f: {  	v2 =	vld.idx.msk [tilespmem:v2+s3+$0x0], $0xffff  }
0x150: {  	v3 =	vld.idx.msk [tilespmem:v3+s3+$0x0], $0xffff  }
0x151: {  	v4 =	vld.idx.msk [tilespmem:v4+s3+$0x0], $0xffff  }
0x152: {  	v5 =	vld.idx.msk [tilespmem:v5+s3+$0x0], $0xffff  }
0x153: {  	v7 =	vld.idx.msk [tilespmem:v7+s3+$0x0], $0xffff  }
0x154: {  	v9 =	vld.idx.msk [tilespmem:v9+s3+$0x0], $0xffff  }
0x155: {  	v6 =	vld.idx.msk [tilespmem:v6+s3+$0x0], $0xffff  }
0x156: {  	v8 =	vld.idx.msk [tilespmem:v8+s3+$0x0], $0xffff  }
0x157: {  	v10 =	vld.idx.msk [tilespmem:v10+s3+$0x0], $0xffff  }
0x158: {  	v11 =	vld.idx.msk [tilespmem:v11+s3+$0x0], $0xffff  }
0x159: {  	v12 =	vld.idx.msk [tilespmem:v12+s3+$0x0], $0xffff  }
0x15a: {  	v13 =	vld.idx.msk [tilespmem:v13+s3+$0x0], $0xffff  }
0x15b: {  	v15 =	vld.idx.msk [tilespmem:v15+s3+$0x0], $0xffff;
	[tilespmem:s18+$0x1C700] =	vst v14  }
0x15c: {  	[tilespmem:s18+$0x1C710] =	vst v0  }
0x15d: {  	[tilespmem:s18+$0x1C720] =	vst v1  }
0x15e: {  	[tilespmem:s18+$0x1C730] =	vst v2  }
0x15f: {  	[tilespmem:s18+$0x1C740] =	vst v3  }
0x160: {  	[tilespmem:s18+$0x1C750] =	vst v4  }
0x161: {  	[tilespmem:s18+$0x1C760] =	vst v5  }
0x162: {  	[tilespmem:s18+$0x1C770] =	vst v7  }
0x163: {  	[tilespmem:s18+$0x1C780] =	vst v9  }
0x164: {  	[tilespmem:s18+$0x1C790] =	vst v6  }
0x165: {  	[tilespmem:s18+$0x1C7A0] =	vst v8  }
0x166: {  	[tilespmem:s18+$0x1C7B0] =	vst v10  }
0x167: {  	[tilespmem:s18+$0x1C7C0] =	vst v11  }
0x168: {  	s17 =	sadd.s32 $0x1, s17;
	[tilespmem:s18+$0x1C7D0] =	vst v12  }
0x169: {  	p0 =	sne.s32 s17, s10;
	[tilespmem:s18+$0x1C7E0] =	vst v13  }
.Ltmp4:
0x16a: {  	[tilespmem:s18+$0x1C7F0] =	vst v15;
	(pc) =	sbr.rel @p0 .LBB2_1-.Ltmp4, $4  }
0x16b: {  	[hbm4b:s9+s12] =	stream.strided.scatter [tilespmem:s15], [sflag:$0x2], $0x2000, s13, s12, $0x38;
	[tilespmem:$0x1E700] =	vst v63  }
0x16c: {  	_ =	swait.ge [sflag:s16], $0x2000  }
0x16d: {  	[sflag:s16] =	ssyncset.done $0x0  }
0x16e: {  	[sflag:s16] =	ssyncadd.s32 $0xFFFFE000  }
0x16f: {  	_ =	sfence.sel $0x180000  }
0x170: {  	[bflag:$0x0] =	sbarrier.arrive $0xFFFF  }
0x171: {  	p0 =	sne.s32 s2, $0x0;
	_ =	strace $0x90000047  }
0x172: {  	s0 =	sadd.s32 @!p0 $0x100000, s0;
	[bflag:$0x2] =	sbarrier.arrive $0xFFFF  }
0x173: {  	[sflag:s0] =	ssyncadd.tile.s32 @!p0 $0x1;
	_ =	shalt  }
.Lfunc_end2:
_tile_overlayer_lowered:
.L_overlay_start_2:
0x174: {  	(tag) =	ssettag $0x2  }
0x175: {  	s0 =	rddreg [dreg:$0x0];
	s2 =	stileid.u32  }
0x176: {  	s1 =	rddreg [dreg:$0x1];
	p0 =	sne.s32 s2, $0x0  }
0x177: {  	s3 =	rddreg [dreg:$0x2];
	[bflag:$0x3] =	sbarrier.arrive $0xFFFF;
	s2 =	simm.s32 @!p0 $0x1C02  }
0x178: {  	[timem:s3], [sflag:s2] =	dma.local @!p0 [hbm:s0], s1  }
0x179: {  	s0 =	simm.s32 @!p0 $0x2  }
0x17a: {  	_ =	swait.ge @!p0 [sflag:s0], s1  }
0x17b: {  	s1 =	ssub.s32 @!p0 $0x0, s1;
	[sflag:s0] =	ssyncset.done @!p0 $0x0  }
0x17c: {  	[sflag:s0] =	ssyncadd.s32 @!p0 s1  }
0x17d: {  	[bflag:$0x3] =	sbarrier.arrive $0xFFFF  }
0x17e: {  	_ =	shalt  }

</sc_bundles>
